<compile_context>
chip_gen: v7x
topology: tpu7x:2x2x1
jax: 0.10.2.dev20260603
libtpu: 0.0.44.dev20260713+nightly
codegen_flags: <defaults>
</compile_context>

<pallas_src>
import functools

import jax
import jax.numpy as jnp
from jax import lax
from jax.experimental import pallas as pl
from jax.experimental.pallas import tpu as pltpu
from jax.experimental.pallas import tpu_sc as plsc

_D = 80
_HE = 64
_SAW = 128
_TILE = 8192
_IDXC = 128


def _sc_gather(table, idx):
    _, d = table.shape
    b = idx.shape[0]
    info = plsc.get_sparse_core_info()
    nw = info.num_cores * info.num_subcores
    b_per_w = b // nw
    nchunk = b_per_w // _IDXC
    mesh = plsc.VectorSubcoreMesh(core_axis_name="c", subcore_axis_name="s")

    @functools.partial(
        pl.kernel,
        mesh=mesh,
        out_type=jax.ShapeDtypeStruct((b, d), jnp.float32),
        scratch_types=[
            pltpu.VMEM((nchunk, _IDXC), jnp.int32),
            pltpu.VMEM((nchunk, _IDXC, d), jnp.float32),
            pltpu.SemaphoreType.DMA,
        ],
    )
    def k(table_hbm, idx_hbm, out_hbm, idx_v, rows_v, sem):
        wid = lax.axis_index("s") * info.num_cores + lax.axis_index("c")
        base = wid * b_per_w
        for j in range(nchunk):
            pltpu.sync_copy(idx_hbm.at[pl.ds(base + j * _IDXC, _IDXC)],
                            idx_v.at[j])
        copies = [
            pltpu.async_copy(table_hbm.at[idx_v.at[j]], rows_v.at[j], sem)
            for j in range(nchunk)
        ]
        for c in copies:
            c.wait()
        for j in range(nchunk):
            pltpu.sync_copy(rows_v.at[j],
                            out_hbm.at[pl.ds(base + j * _IDXC, _IDXC)])

    return k(table, idx)


def _tc_body(z_ref, tv_ref, ball_ref,
             ew1_ref, wn1_ref, wr1_ref, wr2_ref, ew2_ref, wn2_ref, wn3_ref,
             ww1_ref, ww2_ref, ww3_ref, wi1_ref, wt1_ref, wi2_ref, wt2_ref,
             wi3_ref, wt3_ref, wo1_ref, wo2_ref, wo3_ref,
             hout_ref, cur_ref,
             wp1_s, wp2_s, wd_s, we_s, wf_s,
             bp1_s, bp2_s, bn3_s, ba_s, bb_s, bc_s, bd_s, be_s, bf_s,
             bg_s, bh_s, bi_s):
    f32 = jnp.float32

    @pl.when(pl.program_id(0) == 0)
    def _prep():
        bcol = jnp.transpose(ball_ref[...])

        wp1_s[0:64, :] = ew1_ref[0]
        wp1_s[64:128, :] = ew1_ref[1]
        wp1_s[128:208, :] = wn1_ref[...]
        wp1_s[208:210, :] = wr1_ref[0:2, :]
        wp1_s[210:212, :] = wr2_ref[0:2, :]
        bp1_s[0:128, :] = bcol[0:128]
        bp1_s[128:208, :] = bcol[128:208]
        bp1_s[208:210, :] = bcol[208:210]
        bp1_s[210:212, :] = bcol[272:274]

        wp2_s[...] = jnp.zeros(wp2_s.shape, f32)
        wp2_s[0:80, 0:64] = ew2_ref[0]
        wp2_s[80:160, 64:128] = ew2_ref[1]
        wp2_s[160:200, 128:208] = wn2_ref[...]
        bp2_s[0:160, :] = bcol[336:496]
        bp2_s[160:200, :] = bcol[496:536]
        bn3_s[...] = bcol[1720:1721]

        ba_s[...] = bcol[536:664]
        bb_s[...] = bcol[664:792]
        bc_s[...] = bcol[792:856]

        wd_s[0:128, :] = wi1_ref[...]
        wd_s[128:256, :] = wt1_ref[...]
        bd_s[0:128, :] = bcol[856:984]
        bd_s[128:256, :] = bcol[984:1112]

        we_s[...] = jnp.zeros(we_s.shape, f32)
        we_s[0:64, 0:128] = wi2_ref[...]
        we_s[64:192, 128:256] = wt2_ref[...]
        be_s[0:64, :] = bcol[1112:1176]
        be_s[64:192, :] = bcol[1176:1304]

        wf_s[...] = jnp.zeros(wf_s.shape, f32)
        wf_s[0:80, 64:192] = wt3_ref[...]
        wf_s[80:81, 0:64] = wi3_ref[...]
        bf_s[0:80, :] = bcol[1304:1384]
        bf_s[80:81, :] = bcol[1721:1722]

        bg_s[...] = bcol[1384:1512]
        bh_s[...] = bcol[1512:1640]
        bi_s[...] = bcol[1640:1720]

    def mm(w, b_ref, x):
        y = lax.dot_general(w, x, (((1,), (0,)), ((), ())),
                            preferred_element_type=f32)
        return y + b_ref[...]

    sig = jax.nn.sigmoid
    n = z_ref.shape[1]
    h = jnp.concatenate(
        [z_ref[...], jnp.transpose(tv_ref[:, 0:16])], axis=0)
    cur_acc = jnp.zeros((1, n), f32)
    ctx_acc = jnp.zeros((1, n), f32)
    for _ in range(2):
        p1 = mm(wp1_s[...], bp1_s, h)
        r = jnp.maximum(p1[:208], 0.0)
        p2 = jnp.maximum(mm(wp2_s[...], bp2_s, r), 0.0)
        novelty = sig(mm(wn3_ref[...], bn3_s, p2[160:200]))
        d1 = p1[208:209] - p1[209:210]
        d2 = p1[210:211] - p1[211:212]
        m0 = (sig(d1) + sig(d2)) * 0.5
        m1 = (sig(-d1) + sig(-d2)) * 0.5
        h_next = p2[:80] * m0 + p2[80:160] * m1
        diff = h_next - h
        fe = jnp.sqrt(jnp.sum(diff * diff, axis=0, keepdims=True))
        err = sig(fe - 0.5)
        cur_acc = cur_acc + jnp.clip(0.4 * err + 0.6 * novelty, 0.1, 0.9)
        ctx_acc = ctx_acc + (m0 + m1)
        h = h_next
    ctx = ctx_acc * 0.25

    w = jnp.maximum(mm(ww1_ref[...], ba_s,
                       jnp.concatenate([h, ctx * h], axis=0)), 0.0)
    w = jnp.maximum(mm(ww2_ref[...], bb_s, w), 0.0)
    why = mm(ww3_ref[...], bc_s, w)
    qt = jnp.maximum(mm(wd_s[...], bd_s,
                        jnp.concatenate([h, why], axis=0)), 0.0)
    qt = jnp.maximum(mm(we_s[...], be_s, qt), 0.0)
    f = mm(wf_s[...], bf_s, qt)
    blended = h + sig(f[80:81]) * f[:80]
    o = jnp.maximum(mm(wo1_ref[...], bg_s,
                       jnp.concatenate([h, blended], axis=0)), 0.0)
    o = jnp.maximum(mm(wo2_ref[...], bh_s, o), 0.0)
    h_final = 0.7 * h + 0.3 * mm(wo3_ref[...], bi_s, o)
    hout_ref[...] = h_final
    cur_ref[...] = cur_acc * 0.5


def _tc_forward(z, tv, ball, raw):
    b = z.shape[1]
    grid = (b // _TILE,)
    f32 = jnp.float32

    def rowspec(cols):
        return pl.BlockSpec((_TILE, cols), lambda i: (i, 0))

    def fullspec(arr):
        return pl.BlockSpec(arr.shape, lambda i: (0,) * arr.ndim)

    in_specs = [pl.BlockSpec((z.shape[0], _TILE), lambda i: (0, i)),
                rowspec(tv.shape[1]), fullspec(ball)]
    in_specs += [fullspec(x) for x in raw]
    return pl.pallas_call(
        _tc_body,
        grid=grid,
        in_specs=in_specs,
        out_specs=[pl.BlockSpec((_D, _TILE), lambda i: (0, i)),
                   pl.BlockSpec((1, _TILE), lambda i: (0, i))],
        out_shape=[
            jax.ShapeDtypeStruct((_D, b), f32),
            jax.ShapeDtypeStruct((1, b), f32),
        ],
        scratch_shapes=[
            pltpu.VMEM((212, 80), f32),
            pltpu.VMEM((200, 208), f32),
            pltpu.VMEM((256, 144), f32),
            pltpu.VMEM((192, 256), f32),
            pltpu.VMEM((81, 192), f32),
            pltpu.VMEM((212, 1), f32), pltpu.VMEM((200, 1), f32),
            pltpu.VMEM((1, 1), f32), pltpu.VMEM((128, 1), f32),
            pltpu.VMEM((128, 1), f32), pltpu.VMEM((64, 1), f32),
            pltpu.VMEM((256, 1), f32), pltpu.VMEM((192, 1), f32),
            pltpu.VMEM((81, 1), f32), pltpu.VMEM((128, 1), f32),
            pltpu.VMEM((128, 1), f32), pltpu.VMEM((80, 1), f32),
        ],
        compiler_params=pltpu.CompilerParams(
            dimension_semantics=("arbitrary",),
        ),
    )(z, tv, ball, *raw)


def kernel(z, task_ids, params):
    p = params
    table_p = jnp.pad(p['task_emb'].astype(jnp.float32), ((0, 0), (0, 112)))
    tv = _sc_gather(table_p, task_ids.astype(jnp.int32))
    ball = jnp.concatenate(
        [p[k].reshape(1, -1).astype(jnp.float32) for k in
         ('eb1', 'bn1', 'br1', 'br2', 'eb2', 'bn2', 'bw1', 'bw2', 'bw3',
          'bi1', 'bt1', 'bi2', 'bt2', 'bt3', 'bo1', 'bo2', 'bo3', 'bn3',
          'bi3')], axis=1)
    raw = [p[k] for k in
           ('eW1', 'Wn1', 'Wr1', 'Wr2', 'eW2', 'Wn2', 'Wn3', 'Ww1', 'Ww2',
            'Ww3', 'Wi1', 'Wt1', 'Wi2', 'Wt2', 'Wi3', 'Wt3', 'Wo1', 'Wo2',
            'Wo3')]
    h_t, cur_t = _tc_forward(jnp.transpose(z), tv, ball, raw)
    return jnp.transpose(h_t), jnp.transpose(cur_t)

# --- scband reference (transcript-rebuilt; emitter-appended) ---
"""Pipeline reference for scband-shared-brain-927712936574 (READ-ONLY COPY).

The authoritative reference and input builder live on the scoring server;
editing this copy changes nothing except your own understanding.
"""

import jax, jax.numpy as jnp
import numpy as np

LATENT_DIM = 64
TASK_EMB_DIM = 16
D_MODEL = 80
HIDDEN_EXP = 64
NUM_EXPERTS = 2
MAX_EXPERTS = 64
REASON_STEPS = 2
SA = 128
TOP_K = 2
B = 16384
NUM_TASKS = 1000


def _make_params(key):
    keys = jax.random.split(key, 48)
    ctr = [0]
    def nxt():
        k = keys[ctr[0]]
        ctr[0] += 1
        return k
    def lin(shape):
        s = 1.0 / np.sqrt(shape[-1])
        return jax.random.uniform(nxt(), shape, minval=-s, maxval=s, dtype=jnp.float32)
    p = {}
    p['task_emb'] = jax.random.normal(nxt(), (NUM_TASKS, TASK_EMB_DIM), dtype=jnp.float32)
    p['Wr1'] = lin((MAX_EXPERTS, D_MODEL)); p['br1'] = lin((MAX_EXPERTS,))
    p['Wr2'] = lin((MAX_EXPERTS, D_MODEL)); p['br2'] = lin((MAX_EXPERTS,))
    p['eW1'] = lin((NUM_EXPERTS, HIDDEN_EXP, D_MODEL)); p['eb1'] = lin((NUM_EXPERTS, HIDDEN_EXP))
    p['eW2'] = lin((NUM_EXPERTS, D_MODEL, HIDDEN_EXP)); p['eb2'] = lin((NUM_EXPERTS, D_MODEL))
    p['Wf1'] = lin((D_MODEL, D_MODEL)); p['bf1'] = lin((D_MODEL,))
    p['Wf2'] = lin((D_MODEL, D_MODEL)); p['bf2'] = lin((D_MODEL,))
    p['Wf3'] = lin((D_MODEL, D_MODEL)); p['bf3'] = lin((D_MODEL,))
    p['Wn1'] = lin((D_MODEL, D_MODEL)); p['bn1'] = lin((D_MODEL,))
    p['Wn2'] = lin((D_MODEL // 2, D_MODEL)); p['bn2'] = lin((D_MODEL // 2,))
    p['Wn3'] = lin((1, D_MODEL // 2)); p['bn3'] = lin((1,))
    p['Ww1'] = lin((SA, 2 * D_MODEL)); p['bw1'] = lin((SA,))
    p['Ww2'] = lin((SA, SA)); p['bw2'] = lin((SA,))
    p['Ww3'] = lin((SA // 2, SA)); p['bw3'] = lin((SA // 2,))
    p['Wi1'] = lin((SA, D_MODEL + SA // 2)); p['bi1'] = lin((SA,))
    p['Wi2'] = lin((SA // 2, SA)); p['bi2'] = lin((SA // 2,))
    p['Wi3'] = lin((1, SA // 2)); p['bi3'] = lin((1,))
    p['Wt1'] = lin((SA, D_MODEL + SA // 2)); p['bt1'] = lin((SA,))
    p['Wt2'] = lin((SA, SA)); p['bt2'] = lin((SA,))
    p['Wt3'] = lin((D_MODEL, SA)); p['bt3'] = lin((D_MODEL,))
    p['Wo1'] = lin((SA, 2 * D_MODEL)); p['bo1'] = lin((SA,))
    p['Wo2'] = lin((SA, SA)); p['bo2'] = lin((SA,))
    p['Wo3'] = lin((D_MODEL, SA)); p['bo3'] = lin((D_MODEL,))
    return p


def _linear(x, W, b):
    return x @ W.T + b


def _forward(z, task_ids, p):
    task_vec = jnp.take(p['task_emb'], task_ids, axis=0)
    h = jnp.concatenate([z, task_vec], axis=-1)
    n = h.shape[0]
    rows = jnp.arange(n)[:, None]
    curiosities = []
    mixes = []
    for _ in range(REASON_STEPS):
        s1 = _linear(h, p['Wr1'], p['br1'])[:, :NUM_EXPERTS]
        s2 = _linear(h, p['Wr2'], p['br2'])[:, :NUM_EXPERTS]
        k = min(TOP_K, NUM_EXPERTS)
        tv1, ti1 = jax.lax.top_k(s1, k)
        m1 = jnp.zeros((n, NUM_EXPERTS), h.dtype).at[rows, ti1].set(jax.nn.softmax(tv1, axis=-1))
        tv2, ti2 = jax.lax.top_k(s2, k)
        m2 = jnp.zeros((n, NUM_EXPERTS), h.dtype).at[rows, ti2].set(jax.nn.softmax(tv2, axis=-1))
        mix = (m1 + m2) / 2.0
        hid = jax.nn.relu(jnp.einsum('bd,ehd->beh', h, p['eW1']) + p['eb1'][None])
        all_out = jax.nn.relu(jnp.einsum('beh,edh->bed', hid, p['eW2']) + p['eb2'][None])
        h_next = jnp.einsum('bed,be->bd', all_out, mix)
        fm = jax.nn.relu(_linear(h, p['Wf1'], p['bf1']))
        fm = jax.nn.relu(_linear(fm, p['Wf2'], p['bf2']))
        h_pred = _linear(fm, p['Wf3'], p['bf3'])  # computed as in torch forward; not consumed by curiosity
        fe = jnp.linalg.norm(h_next - h, axis=-1, keepdims=True)
        h_norm = h  # running_mean buffer = 0, running_var buffer = 1 -> identity normalization
        nv = jax.nn.relu(_linear(h_norm, p['Wn1'], p['bn1']))
        nv = jax.nn.relu(_linear(nv, p['Wn2'], p['bn2']))
        novelty = jax.nn.sigmoid(_linear(nv, p['Wn3'], p['bn3']))
        err_norm = jax.nn.sigmoid(fe - 0.5)
        cur = jnp.clip(0.4 * err_norm + 0.6 * novelty, 0.1, 0.9)
        curiosities.append(cur)
        mixes.append(mix)
        h = h_next
    avg_cur = jnp.mean(jnp.stack(curiosities, 0), axis=0)
    avg_mix = jnp.mean(jnp.stack(mixes, 0), axis=0)
    ctx = jnp.broadcast_to(jnp.mean(avg_mix, axis=1, keepdims=True), h.shape)
    hwc = jnp.concatenate([h, ctx * h], axis=-1)
    w = jax.nn.relu(_linear(hwc, p['Ww1'], p['bw1']))
    w = jax.nn.relu(_linear(w, p['Ww2'], p['bw2']))
    why = _linear(w, p['Ww3'], p['bw3'])
    hww = jnp.concatenate([h, why], axis=-1)
    q = jax.nn.relu(_linear(hww, p['Wi1'], p['bi1']))
    q = jax.nn.relu(_linear(q, p['Wi2'], p['bi2']))
    if_q = jax.nn.sigmoid(_linear(q, p['Wi3'], p['bi3']))
    t = jax.nn.relu(_linear(hww, p['Wt1'], p['bt1']))
    t = jax.nn.relu(_linear(t, p['Wt2'], p['bt2']))
    think = _linear(t, p['Wt3'], p['bt3'])
    blended = h + if_q * think
    ho = jnp.concatenate([h, blended], axis=-1)
    o = jax.nn.relu(_linear(ho, p['Wo1'], p['bo1']))
    o = jax.nn.relu(_linear(o, p['Wo2'], p['bo2']))
    h_refined = _linear(o, p['Wo3'], p['bo3'])
    h_final = 0.7 * h + 0.3 * h_refined
    return (h_final, avg_cur)


def setup_inputs(seed: int = 0):
    key = jax.random.key(seed)
    kz, kt, kp = jax.random.split(key, 3)
    z = jax.random.normal(kz, (B, LATENT_DIM), dtype=jnp.float32)
    task_ids = jax.random.randint(kt, (B,), 0, NUM_TASKS)
    params = _make_params(kp)
    return {'z': z, 'task_ids': task_ids, 'params': params}


def reference(z, task_ids, params):
    return _forward(z, task_ids, params)

if __name__ == "__main__":
    import jax
    _d = setup_inputs()
    print(jax.jit(kernel)(*tuple(_d.values())))

</pallas_src>

<mosaic_0001>
#map = affine_map<(d0, d1) -> (0, 0)>
#map1 = affine_map<(d0, d1) -> (0)>
module attributes {stable_mosaic.version = 14 : i64} {
  func.func @k(%arg0: i32, %arg1: i32, %arg2: memref<1000x128xf32, #tpu.memory_space<hbm>>, %arg3: memref<16384xi32, #tpu.memory_space<hbm>>, %arg4: memref<16384x128xf32, #tpu.memory_space<hbm>>, %arg5: memref<4x128xi32, #tpu.memory_space<vmem>>, %arg6: memref<4x128x128xf32, #tpu.memory_space<vmem>>, %arg7: memref<!tpu.dma_semaphore, #tpu.memory_space<semaphore_mem>>) attributes {dimension_semantics = [#tpu.dimension_semantics<core_parallel>, #tpu.dimension_semantics<subcore_parallel>], iteration_bounds = array<i64: 2, 16>, scalar_prefetch = 0 : i64, scratch_operands = 3 : i64, tpu.core_type = #tpu.core_type<sc_vector_subcore>, window_params = [{transform_indices = #map}, {transform_indices = #map1}, {transform_indices = #map}]} {
    %mul3A = arith.constant 2 : i32
    %mul3A_0 = arith.muli %arg1, %mul3A : i32
    %add3A = arith.addi %mul3A_0, %arg0 : i32
    %mul3A_1 = arith.constant 512 : i32
    %mul3A_2 = arith.muli %add3A, %mul3A_1 : i32
    %add3A_3 = arith.constant 0 : i32
    %add3A_4 = arith.addi %mul3A_2, %add3A_3 : i32
    %run_scoped3A = arith.constant 0 : i32
    "tpu.region"() ({
      %run_scoped3A_120 = tpu.sem_alloc : memref<!tpu.dma_semaphore, #tpu.memory_space<semaphore_mem>>
      %dma_start3A_121 = arith.constant 0 : i32
      %dma_start3A_122 = tpu.memref_slice %arg5[%run_scoped3A, %dma_start3A_121] : memref<4x128xi32, #tpu.memory_space<vmem>> -> memref<1x128xi32, #tpu.memory_space<vmem>>
      %dma_start3A_123 = tpu.memref_squeeze %dma_start3A_122 : memref<1x128xi32, #tpu.memory_space<vmem>> -> memref<128xi32, #tpu.memory_space<vmem>>
      %dma_start3A_124 = tpu.memref_slice %arg3[%add3A_4] : memref<16384xi32, #tpu.memory_space<hbm>> -> memref<128xi32, #tpu.memory_space<hbm>>
      %dma_start3A_125 = arith.constant 0 : i32
      %dma_start3A_126 = tpu.memref_slice %arg5[%run_scoped3A, %dma_start3A_125] : memref<4x128xi32, #tpu.memory_space<vmem>> -> memref<1x128xi32, #tpu.memory_space<vmem>>
      %dma_start3A_127 = tpu.memref_squeeze %dma_start3A_126 : memref<1x128xi32, #tpu.memory_space<vmem>> -> memref<128xi32, #tpu.memory_space<vmem>>
      %dma_start3A_128 = tpu.memref_slice %arg3[%add3A_4] : memref<16384xi32, #tpu.memory_space<hbm>> -> memref<128xi32, #tpu.memory_space<hbm>>
      tpu.enqueue_dma source(%dma_start3A_128 : memref<128xi32, #tpu.memory_space<hbm>>) target(%dma_start3A_127 : memref<128xi32, #tpu.memory_space<vmem>>) target_semaphore(%run_scoped3A_120 : memref<!tpu.dma_semaphore, #tpu.memory_space<semaphore_mem>>)
      %dma_wait3A_129 = arith.constant 0 : i32
      %dma_wait3A_130 = tpu.memref_slice %arg5[%run_scoped3A, %dma_wait3A_129] : memref<4x128xi32, #tpu.memory_space<vmem>> -> memref<1x128xi32, #tpu.memory_space<vmem>>
      %dma_wait3A_131 = tpu.memref_squeeze %dma_wait3A_130 : memref<1x128xi32, #tpu.memory_space<vmem>> -> memref<128xi32, #tpu.memory_space<vmem>>
      %dma_wait3A_132 = tpu.memref_slice %arg3[%add3A_4] : memref<16384xi32, #tpu.memory_space<hbm>> -> memref<128xi32, #tpu.memory_space<hbm>>
      %dma_wait3A_133 = arith.constant 0 : i32
      %dma_wait3A_134 = tpu.memref_slice %arg5[%run_scoped3A, %dma_wait3A_133] : memref<4x128xi32, #tpu.memory_space<vmem>> -> memref<1x128xi32, #tpu.memory_space<vmem>>
      %dma_wait3A_135 = tpu.memref_squeeze %dma_wait3A_134 : memref<1x128xi32, #tpu.memory_space<vmem>> -> memref<128xi32, #tpu.memory_space<vmem>>
      %dma_wait3A_136 = tpu.memref_slice %arg3[%add3A_4] : memref<16384xi32, #tpu.memory_space<hbm>> -> memref<128xi32, #tpu.memory_space<hbm>>
      tpu.wait_dma2 semaphore(%run_scoped3A_120 : memref<!tpu.dma_semaphore, #tpu.memory_space<semaphore_mem>>) src(%dma_wait3A_136 : memref<128xi32, #tpu.memory_space<hbm>>) dst(%dma_wait3A_135 : memref<128xi32, #tpu.memory_space<vmem>>)
      tpu.yield
    }) : () -> ()
    %add3A_5 = arith.constant 128 : i32
    %add3A_6 = arith.addi %mul3A_2, %add3A_5 : i32
    %run_scoped3A_7 = arith.constant 1 : i32
    "tpu.region"() ({
      %run_scoped3A_120 = tpu.sem_alloc : memref<!tpu.dma_semaphore, #tpu.memory_space<semaphore_mem>>
      %dma_start3A_121 = arith.constant 0 : i32
      %dma_start3A_122 = tpu.memref_slice %arg5[%run_scoped3A_7, %dma_start3A_121] : memref<4x128xi32, #tpu.memory_space<vmem>> -> memref<1x128xi32, #tpu.memory_space<vmem>>
      %dma_start3A_123 = tpu.memref_squeeze %dma_start3A_122 : memref<1x128xi32, #tpu.memory_space<vmem>> -> memref<128xi32, #tpu.memory_space<vmem>>
      %dma_start3A_124 = tpu.memref_slice %arg3[%add3A_6] : memref<16384xi32, #tpu.memory_space<hbm>> -> memref<128xi32, #tpu.memory_space<hbm>>
      %dma_start3A_125 = arith.constant 0 : i32
      %dma_start3A_126 = tpu.memref_slice %arg5[%run_scoped3A_7, %dma_start3A_125] : memref<4x128xi32, #tpu.memory_space<vmem>> -> memref<1x128xi32, #tpu.memory_space<vmem>>
      %dma_start3A_127 = tpu.memref_squeeze %dma_start3A_126 : memref<1x128xi32, #tpu.memory_space<vmem>> -> memref<128xi32, #tpu.memory_space<vmem>>
      %dma_start3A_128 = tpu.memref_slice %arg3[%add3A_6] : memref<16384xi32, #tpu.memory_space<hbm>> -> memref<128xi32, #tpu.memory_space<hbm>>
      tpu.enqueue_dma source(%dma_start3A_128 : memref<128xi32, #tpu.memory_space<hbm>>) target(%dma_start3A_127 : memref<128xi32, #tpu.memory_space<vmem>>) target_semaphore(%run_scoped3A_120 : memref<!tpu.dma_semaphore, #tpu.memory_space<semaphore_mem>>)
      %dma_wait3A_129 = arith.constant 0 : i32
      %dma_wait3A_130 = tpu.memref_slice %arg5[%run_scoped3A_7, %dma_wait3A_129] : memref<4x128xi32, #tpu.memory_space<vmem>> -> memref<1x128xi32, #tpu.memory_space<vmem>>
      %dma_wait3A_131 = tpu.memref_squeeze %dma_wait3A_130 : memref<1x128xi32, #tpu.memory_space<vmem>> -> memref<128xi32, #tpu.memory_space<vmem>>
      %dma_wait3A_132 = tpu.memref_slice %arg3[%add3A_6] : memref<16384xi32, #tpu.memory_space<hbm>> -> memref<128xi32, #tpu.memory_space<hbm>>
      %dma_wait3A_133 = arith.constant 0 : i32
      %dma_wait3A_134 = tpu.memref_slice %arg5[%run_scoped3A_7, %dma_wait3A_133] : memref<4x128xi32, #tpu.memory_space<vmem>> -> memref<1x128xi32, #tpu.memory_space<vmem>>
      %dma_wait3A_135 = tpu.memref_squeeze %dma_wait3A_134 : memref<1x128xi32, #tpu.memory_space<vmem>> -> memref<128xi32, #tpu.memory_space<vmem>>
      %dma_wait3A_136 = tpu.memref_slice %arg3[%add3A_6] : memref<16384xi32, #tpu.memory_space<hbm>> -> memref<128xi32, #tpu.memory_space<hbm>>
      tpu.wait_dma2 semaphore(%run_scoped3A_120 : memref<!tpu.dma_semaphore, #tpu.memory_space<semaphore_mem>>) src(%dma_wait3A_136 : memref<128xi32, #tpu.memory_space<hbm>>) dst(%dma_wait3A_135 : memref<128xi32, #tpu.memory_space<vmem>>)
      tpu.yield
    }) : () -> ()
    %add3A_8 = arith.constant 256 : i32
    %add3A_9 = arith.addi %mul3A_2, %add3A_8 : i32
    %run_scoped3A_10 = arith.constant 2 : i32
    "tpu.region"() ({
      %run_scoped3A_120 = tpu.sem_alloc : memref<!tpu.dma_semaphore, #tpu.memory_space<semaphore_mem>>
      %dma_start3A_121 = arith.constant 0 : i32
      %dma_start3A_122 = tpu.memref_slice %arg5[%run_scoped3A_10, %dma_start3A_121] : memref<4x128xi32, #tpu.memory_space<vmem>> -> memref<1x128xi32, #tpu.memory_space<vmem>>
      %dma_start3A_123 = tpu.memref_squeeze %dma_start3A_122 : memref<1x128xi32, #tpu.memory_space<vmem>> -> memref<128xi32, #tpu.memory_space<vmem>>
      %dma_start3A_124 = tpu.memref_slice %arg3[%add3A_9] : memref<16384xi32, #tpu.memory_space<hbm>> -> memref<128xi32, #tpu.memory_space<hbm>>
      %dma_start3A_125 = arith.constant 0 : i32
      %dma_start3A_126 = tpu.memref_slice %arg5[%run_scoped3A_10, %dma_start3A_125] : memref<4x128xi32, #tpu.memory_space<vmem>> -> memref<1x128xi32, #tpu.memory_space<vmem>>
      %dma_start3A_127 = tpu.memref_squeeze %dma_start3A_126 : memref<1x128xi32, #tpu.memory_space<vmem>> -> memref<128xi32, #tpu.memory_space<vmem>>
      %dma_start3A_128 = tpu.memref_slice %arg3[%add3A_9] : memref<16384xi32, #tpu.memory_space<hbm>> -> memref<128xi32, #tpu.memory_space<hbm>>
      tpu.enqueue_dma source(%dma_start3A_128 : memref<128xi32, #tpu.memory_space<hbm>>) target(%dma_start3A_127 : memref<128xi32, #tpu.memory_space<vmem>>) target_semaphore(%run_scoped3A_120 : memref<!tpu.dma_semaphore, #tpu.memory_space<semaphore_mem>>)
      %dma_wait3A_129 = arith.constant 0 : i32
      %dma_wait3A_130 = tpu.memref_slice %arg5[%run_scoped3A_10, %dma_wait3A_129] : memref<4x128xi32, #tpu.memory_space<vmem>> -> memref<1x128xi32, #tpu.memory_space<vmem>>
      %dma_wait3A_131 = tpu.memref_squeeze %dma_wait3A_130 : memref<1x128xi32, #tpu.memory_space<vmem>> -> memref<128xi32, #tpu.memory_space<vmem>>
      %dma_wait3A_132 = tpu.memref_slice %arg3[%add3A_9] : memref<16384xi32, #tpu.memory_space<hbm>> -> memref<128xi32, #tpu.memory_space<hbm>>
      %dma_wait3A_133 = arith.constant 0 : i32
      %dma_wait3A_134 = tpu.memref_slice %arg5[%run_scoped3A_10, %dma_wait3A_133] : memref<4x128xi32, #tpu.memory_space<vmem>> -> memref<1x128xi32, #tpu.memory_space<vmem>>
      %dma_wait3A_135 = tpu.memref_squeeze %dma_wait3A_134 : memref<1x128xi32, #tpu.memory_space<vmem>> -> memref<128xi32, #tpu.memory_space<vmem>>
      %dma_wait3A_136 = tpu.memref_slice %arg3[%add3A_9] : memref<16384xi32, #tpu.memory_space<hbm>> -> memref<128xi32, #tpu.memory_space<hbm>>
      tpu.wait_dma2 semaphore(%run_scoped3A_120 : memref<!tpu.dma_semaphore, #tpu.memory_space<semaphore_mem>>) src(%dma_wait3A_136 : memref<128xi32, #tpu.memory_space<hbm>>) dst(%dma_wait3A_135 : memref<128xi32, #tpu.memory_space<vmem>>)
      tpu.yield
    }) : () -> ()
    %add3A_11 = arith.constant 384 : i32
    %add3A_12 = arith.addi %mul3A_2, %add3A_11 : i32
    %run_scoped3A_13 = arith.constant 3 : i32
    "tpu.region"() ({
      %run_scoped3A_120 = tpu.sem_alloc : memref<!tpu.dma_semaphore, #tpu.memory_space<semaphore_mem>>
      %dma_start3A_121 = arith.constant 0 : i32
      %dma_start3A_122 = tpu.memref_slice %arg5[%run_scoped3A_13, %dma_start3A_121] : memref<4x128xi32, #tpu.memory_space<vmem>> -> memref<1x128xi32, #tpu.memory_space<vmem>>
      %dma_start3A_123 = tpu.memref_squeeze %dma_start3A_122 : memref<1x128xi32, #tpu.memory_space<vmem>> -> memref<128xi32, #tpu.memory_space<vmem>>
      %dma_start3A_124 = tpu.memref_slice %arg3[%add3A_12] : memref<16384xi32, #tpu.memory_space<hbm>> -> memref<128xi32, #tpu.memory_space<hbm>>
      %dma_start3A_125 = arith.constant 0 : i32
      %dma_start3A_126 = tpu.memref_slice %arg5[%run_scoped3A_13, %dma_start3A_125] : memref<4x128xi32, #tpu.memory_space<vmem>> -> memref<1x128xi32, #tpu.memory_space<vmem>>
      %dma_start3A_127 = tpu.memref_squeeze %dma_start3A_126 : memref<1x128xi32, #tpu.memory_space<vmem>> -> memref<128xi32, #tpu.memory_space<vmem>>
      %dma_start3A_128 = tpu.memref_slice %arg3[%add3A_12] : memref<16384xi32, #tpu.memory_space<hbm>> -> memref<128xi32, #tpu.memory_space<hbm>>
      tpu.enqueue_dma source(%dma_start3A_128 : memref<128xi32, #tpu.memory_space<hbm>>) target(%dma_start3A_127 : memref<128xi32, #tpu.memory_space<vmem>>) target_semaphore(%run_scoped3A_120 : memref<!tpu.dma_semaphore, #tpu.memory_space<semaphore_mem>>)
      %dma_wait3A_129 = arith.constant 0 : i32
      %dma_wait3A_130 = tpu.memref_slice %arg5[%run_scoped3A_13, %dma_wait3A_129] : memref<4x128xi32, #tpu.memory_space<vmem>> -> memref<1x128xi32, #tpu.memory_space<vmem>>
      %dma_wait3A_131 = tpu.memref_squeeze %dma_wait3A_130 : memref<1x128xi32, #tpu.memory_space<vmem>> -> memref<128xi32, #tpu.memory_space<vmem>>
      %dma_wait3A_132 = tpu.memref_slice %arg3[%add3A_12] : memref<16384xi32, #tpu.memory_space<hbm>> -> memref<128xi32, #tpu.memory_space<hbm>>
      %dma_wait3A_133 = arith.constant 0 : i32
      %dma_wait3A_134 = tpu.memref_slice %arg5[%run_scoped3A_13, %dma_wait3A_133] : memref<4x128xi32, #tpu.memory_space<vmem>> -> memref<1x128xi32, #tpu.memory_space<vmem>>
      %dma_wait3A_135 = tpu.memref_squeeze %dma_wait3A_134 : memref<1x128xi32, #tpu.memory_space<vmem>> -> memref<128xi32, #tpu.memory_space<vmem>>
      %dma_wait3A_136 = tpu.memref_slice %arg3[%add3A_12] : memref<16384xi32, #tpu.memory_space<hbm>> -> memref<128xi32, #tpu.memory_space<hbm>>
      tpu.wait_dma2 semaphore(%run_scoped3A_120 : memref<!tpu.dma_semaphore, #tpu.memory_space<semaphore_mem>>) src(%dma_wait3A_136 : memref<128xi32, #tpu.memory_space<hbm>>) dst(%dma_wait3A_135 : memref<128xi32, #tpu.memory_space<vmem>>)
      tpu.yield
    }) : () -> ()
    %dma_start3A = arith.constant 0 : i32
    %dma_start3A_14 = arith.constant 0 : i32
    %dma_start3A_15 = arith.constant 0 : i32
    %dma_start3A_16 = arith.constant 0 : i32
    %dma_start3A_17 = tpu.memref_slice %arg6[%dma_start3A_14, %dma_start3A_15, %dma_start3A_16] : memref<4x128x128xf32, #tpu.memory_space<vmem>> -> memref<1x128x128xf32, #tpu.memory_space<vmem>>
    %dma_start3A_18 = tpu.memref_squeeze %dma_start3A_17 : memref<1x128x128xf32, #tpu.memory_space<vmem>> -> memref<128x128xf32, #tpu.memory_space<vmem>>
    %dma_start3A_19 = arith.constant 0 : i32
    %dma_start3A_20 = tpu.memref_slice %arg5[%dma_start3A, %dma_start3A_19] : memref<4x128xi32, #tpu.memory_space<vmem>> -> memref<1x128xi32, #tpu.memory_space<vmem>>
    %dma_start3A_21 = tpu.memref_squeeze %dma_start3A_20 : memref<1x128xi32, #tpu.memory_space<vmem>> -> memref<128xi32, #tpu.memory_space<vmem>>
    %dma_start3A_22 = arith.constant 0 : i32
    %dma_start3A_23 = arith.constant 0 : i32
    %dma_start3A_24 = tpu.memref_slice %arg2[%dma_start3A_22, %dma_start3A_23] : memref<1000x128xf32, #tpu.memory_space<hbm>> -> memref<1000x128xf32, #tpu.memory_space<hbm>>
    tpu.enqueue_indirect_dma source(%dma_start3A_24 : memref<1000x128xf32, #tpu.memory_space<hbm>>) target(%dma_start3A_18 : memref<128x128xf32, #tpu.memory_space<vmem>>) offsets(%dma_start3A_21 : memref<128xi32, #tpu.memory_space<vmem>>) semaphore(%arg7 : memref<!tpu.dma_semaphore, #tpu.memory_space<semaphore_mem>>)
    %dma_start3A_25 = arith.constant 1 : i32
    %dma_start3A_26 = arith.constant 1 : i32
    %dma_start3A_27 = arith.constant 0 : i32
    %dma_start3A_28 = arith.constant 0 : i32
    %dma_start3A_29 = tpu.memref_slice %arg6[%dma_start3A_26, %dma_start3A_27, %dma_start3A_28] : memref<4x128x128xf32, #tpu.memory_space<vmem>> -> memref<1x128x128xf32, #tpu.memory_space<vmem>>
    %dma_start3A_30 = tpu.memref_squeeze %dma_start3A_29 : memref<1x128x128xf32, #tpu.memory_space<vmem>> -> memref<128x128xf32, #tpu.memory_space<vmem>>
    %dma_start3A_31 = arith.constant 0 : i32
    %dma_start3A_32 = tpu.memref_slice %arg5[%dma_start3A_25, %dma_start3A_31] : memref<4x128xi32, #tpu.memory_space<vmem>> -> memref<1x128xi32, #tpu.memory_space<vmem>>
    %dma_start3A_33 = tpu.memref_squeeze %dma_start3A_32 : memref<1x128xi32, #tpu.memory_space<vmem>> -> memref<128xi32, #tpu.memory_space<vmem>>
    %dma_start3A_34 = arith.constant 0 : i32
    %dma_start3A_35 = arith.constant 0 : i32
    %dma_start3A_36 = tpu.memref_slice %arg2[%dma_start3A_34, %dma_start3A_35] : memref<1000x128xf32, #tpu.memory_space<hbm>> -> memref<1000x128xf32, #tpu.memory_space<hbm>>
    tpu.enqueue_indirect_dma source(%dma_start3A_36 : memref<1000x128xf32, #tpu.memory_space<hbm>>) target(%dma_start3A_30 : memref<128x128xf32, #tpu.memory_space<vmem>>) offsets(%dma_start3A_33 : memref<128xi32, #tpu.memory_space<vmem>>) semaphore(%arg7 : memref<!tpu.dma_semaphore, #tpu.memory_space<semaphore_mem>>)
    %dma_start3A_37 = arith.constant 2 : i32
    %dma_start3A_38 = arith.constant 2 : i32
    %dma_start3A_39 = arith.constant 0 : i32
    %dma_start3A_40 = arith.constant 0 : i32
    %dma_start3A_41 = tpu.memref_slice %arg6[%dma_start3A_38, %dma_start3A_39, %dma_start3A_40] : memref<4x128x128xf32, #tpu.memory_space<vmem>> -> memref<1x128x128xf32, #tpu.memory_space<vmem>>
    %dma_start3A_42 = tpu.memref_squeeze %dma_start3A_41 : memref<1x128x128xf32, #tpu.memory_space<vmem>> -> memref<128x128xf32, #tpu.memory_space<vmem>>
    %dma_start3A_43 = arith.constant 0 : i32
    %dma_start3A_44 = tpu.memref_slice %arg5[%dma_start3A_37, %dma_start3A_43] : memref<4x128xi32, #tpu.memory_space<vmem>> -> memref<1x128xi32, #tpu.memory_space<vmem>>
    %dma_start3A_45 = tpu.memref_squeeze %dma_start3A_44 : memref<1x128xi32, #tpu.memory_space<vmem>> -> memref<128xi32, #tpu.memory_space<vmem>>
    %dma_start3A_46 = arith.constant 0 : i32
    %dma_start3A_47 = arith.constant 0 : i32
    %dma_start3A_48 = tpu.memref_slice %arg2[%dma_start3A_46, %dma_start3A_47] : memref<1000x128xf32, #tpu.memory_space<hbm>> -> memref<1000x128xf32, #tpu.memory_space<hbm>>
    tpu.enqueue_indirect_dma source(%dma_start3A_48 : memref<1000x128xf32, #tpu.memory_space<hbm>>) target(%dma_start3A_42 : memref<128x128xf32, #tpu.memory_space<vmem>>) offsets(%dma_start3A_45 : memref<128xi32, #tpu.memory_space<vmem>>) semaphore(%arg7 : memref<!tpu.dma_semaphore, #tpu.memory_space<semaphore_mem>>)
    %dma_start3A_49 = arith.constant 3 : i32
    %dma_start3A_50 = arith.constant 3 : i32
    %dma_start3A_51 = arith.constant 0 : i32
    %dma_start3A_52 = arith.constant 0 : i32
    %dma_start3A_53 = tpu.memref_slice %arg6[%dma_start3A_50, %dma_start3A_51, %dma_start3A_52] : memref<4x128x128xf32, #tpu.memory_space<vmem>> -> memref<1x128x128xf32, #tpu.memory_space<vmem>>
    %dma_start3A_54 = tpu.memref_squeeze %dma_start3A_53 : memref<1x128x128xf32, #tpu.memory_space<vmem>> -> memref<128x128xf32, #tpu.memory_space<vmem>>
    %dma_start3A_55 = arith.constant 0 : i32
    %dma_start3A_56 = tpu.memref_slice %arg5[%dma_start3A_49, %dma_start3A_55] : memref<4x128xi32, #tpu.memory_space<vmem>> -> memref<1x128xi32, #tpu.memory_space<vmem>>
    %dma_start3A_57 = tpu.memref_squeeze %dma_start3A_56 : memref<1x128xi32, #tpu.memory_space<vmem>> -> memref<128xi32, #tpu.memory_space<vmem>>
    %dma_start3A_58 = arith.constant 0 : i32
    %dma_start3A_59 = arith.constant 0 : i32
    %dma_start3A_60 = tpu.memref_slice %arg2[%dma_start3A_58, %dma_start3A_59] : memref<1000x128xf32, #tpu.memory_space<hbm>> -> memref<1000x128xf32, #tpu.memory_space<hbm>>
    tpu.enqueue_indirect_dma source(%dma_start3A_60 : memref<1000x128xf32, #tpu.memory_space<hbm>>) target(%dma_start3A_54 : memref<128x128xf32, #tpu.memory_space<vmem>>) offsets(%dma_start3A_57 : memref<128xi32, #tpu.memory_space<vmem>>) semaphore(%arg7 : memref<!tpu.dma_semaphore, #tpu.memory_space<semaphore_mem>>)
    %dma_wait3A = arith.constant 0 : i32
    %dma_wait3A_61 = arith.constant 0 : i32
    %dma_wait3A_62 = arith.constant 0 : i32
    %dma_wait3A_63 = arith.constant 0 : i32
    %dma_wait3A_64 = tpu.memref_slice %arg6[%dma_wait3A_61, %dma_wait3A_62, %dma_wait3A_63] : memref<4x128x128xf32, #tpu.memory_space<vmem>> -> memref<1x128x128xf32, #tpu.memory_space<vmem>>
    %dma_wait3A_65 = tpu.memref_squeeze %dma_wait3A_64 : memref<1x128x128xf32, #tpu.memory_space<vmem>> -> memref<128x128xf32, #tpu.memory_space<vmem>>
    %dma_wait3A_66 = arith.constant 0 : i32
    %dma_wait3A_67 = tpu.memref_slice %arg5[%dma_wait3A, %dma_wait3A_66] : memref<4x128xi32, #tpu.memory_space<vmem>> -> memref<1x128xi32, #tpu.memory_space<vmem>>
    %dma_wait3A_68 = tpu.memref_squeeze %dma_wait3A_67 : memref<1x128xi32, #tpu.memory_space<vmem>> -> memref<128xi32, #tpu.memory_space<vmem>>
    %dma_wait3A_69 = arith.constant 0 : i32
    %dma_wait3A_70 = arith.constant 0 : i32
    %dma_wait3A_71 = tpu.memref_slice %arg2[%dma_wait3A_69, %dma_wait3A_70] : memref<1000x128xf32, #tpu.memory_space<hbm>> -> memref<1000x128xf32, #tpu.memory_space<hbm>>
    tpu.wait_indirect_dma semaphore(%arg7 : memref<!tpu.dma_semaphore, #tpu.memory_space<semaphore_mem>>) src(%dma_wait3A_71 : memref<1000x128xf32, #tpu.memory_space<hbm>>) dst(%dma_wait3A_65 : memref<128x128xf32, #tpu.memory_space<vmem>>)
    %dma_wait3A_72 = arith.constant 1 : i32
    %dma_wait3A_73 = arith.constant 1 : i32
    %dma_wait3A_74 = arith.constant 0 : i32
    %dma_wait3A_75 = arith.constant 0 : i32
    %dma_wait3A_76 = tpu.memref_slice %arg6[%dma_wait3A_73, %dma_wait3A_74, %dma_wait3A_75] : memref<4x128x128xf32, #tpu.memory_space<vmem>> -> memref<1x128x128xf32, #tpu.memory_space<vmem>>
    %dma_wait3A_77 = tpu.memref_squeeze %dma_wait3A_76 : memref<1x128x128xf32, #tpu.memory_space<vmem>> -> memref<128x128xf32, #tpu.memory_space<vmem>>
    %dma_wait3A_78 = arith.constant 0 : i32
    %dma_wait3A_79 = tpu.memref_slice %arg5[%dma_wait3A_72, %dma_wait3A_78] : memref<4x128xi32, #tpu.memory_space<vmem>> -> memref<1x128xi32, #tpu.memory_space<vmem>>
    %dma_wait3A_80 = tpu.memref_squeeze %dma_wait3A_79 : memref<1x128xi32, #tpu.memory_space<vmem>> -> memref<128xi32, #tpu.memory_space<vmem>>
    %dma_wait3A_81 = arith.constant 0 : i32
    %dma_wait3A_82 = arith.constant 0 : i32
    %dma_wait3A_83 = tpu.memref_slice %arg2[%dma_wait3A_81, %dma_wait3A_82] : memref<1000x128xf32, #tpu.memory_space<hbm>> -> memref<1000x128xf32, #tpu.memory_space<hbm>>
    tpu.wait_indirect_dma semaphore(%arg7 : memref<!tpu.dma_semaphore, #tpu.memory_space<semaphore_mem>>) src(%dma_wait3A_83 : memref<1000x128xf32, #tpu.memory_space<hbm>>) dst(%dma_wait3A_77 : memref<128x128xf32, #tpu.memory_space<vmem>>)
    %dma_wait3A_84 = arith.constant 2 : i32
    %dma_wait3A_85 = arith.constant 2 : i32
    %dma_wait3A_86 = arith.constant 0 : i32
    %dma_wait3A_87 = arith.constant 0 : i32
    %dma_wait3A_88 = tpu.memref_slice %arg6[%dma_wait3A_85, %dma_wait3A_86, %dma_wait3A_87] : memref<4x128x128xf32, #tpu.memory_space<vmem>> -> memref<1x128x128xf32, #tpu.memory_space<vmem>>
    %dma_wait3A_89 = tpu.memref_squeeze %dma_wait3A_88 : memref<1x128x128xf32, #tpu.memory_space<vmem>> -> memref<128x128xf32, #tpu.memory_space<vmem>>
    %dma_wait3A_90 = arith.constant 0 : i32
    %dma_wait3A_91 = tpu.memref_slice %arg5[%dma_wait3A_84, %dma_wait3A_90] : memref<4x128xi32, #tpu.memory_space<vmem>> -> memref<1x128xi32, #tpu.memory_space<vmem>>
    %dma_wait3A_92 = tpu.memref_squeeze %dma_wait3A_91 : memref<1x128xi32, #tpu.memory_space<vmem>> -> memref<128xi32, #tpu.memory_space<vmem>>
    %dma_wait3A_93 = arith.constant 0 : i32
    %dma_wait3A_94 = arith.constant 0 : i32
    %dma_wait3A_95 = tpu.memref_slice %arg2[%dma_wait3A_93, %dma_wait3A_94] : memref<1000x128xf32, #tpu.memory_space<hbm>> -> memref<1000x128xf32, #tpu.memory_space<hbm>>
    tpu.wait_indirect_dma semaphore(%arg7 : memref<!tpu.dma_semaphore, #tpu.memory_space<semaphore_mem>>) src(%dma_wait3A_95 : memref<1000x128xf32, #tpu.memory_space<hbm>>) dst(%dma_wait3A_89 : memref<128x128xf32, #tpu.memory_space<vmem>>)
    %dma_wait3A_96 = arith.constant 3 : i32
    %dma_wait3A_97 = arith.constant 3 : i32
    %dma_wait3A_98 = arith.constant 0 : i32
    %dma_wait3A_99 = arith.constant 0 : i32
    %dma_wait3A_100 = tpu.memref_slice %arg6[%dma_wait3A_97, %dma_wait3A_98, %dma_wait3A_99] : memref<4x128x128xf32, #tpu.memory_space<vmem>> -> memref<1x128x128xf32, #tpu.memory_space<vmem>>
    %dma_wait3A_101 = tpu.memref_squeeze %dma_wait3A_100 : memref<1x128x128xf32, #tpu.memory_space<vmem>> -> memref<128x128xf32, #tpu.memory_space<vmem>>
    %dma_wait3A_102 = arith.constant 0 : i32
    %dma_wait3A_103 = tpu.memref_slice %arg5[%dma_wait3A_96, %dma_wait3A_102] : memref<4x128xi32, #tpu.memory_space<vmem>> -> memref<1x128xi32, #tpu.memory_space<vmem>>
    %dma_wait3A_104 = tpu.memref_squeeze %dma_wait3A_103 : memref<1x128xi32, #tpu.memory_space<vmem>> -> memref<128xi32, #tpu.memory_space<vmem>>
    %dma_wait3A_105 = arith.constant 0 : i32
    %dma_wait3A_106 = arith.constant 0 : i32
    %dma_wait3A_107 = tpu.memref_slice %arg2[%dma_wait3A_105, %dma_wait3A_106] : memref<1000x128xf32, #tpu.memory_space<hbm>> -> memref<1000x128xf32, #tpu.memory_space<hbm>>
    tpu.wait_indirect_dma semaphore(%arg7 : memref<!tpu.dma_semaphore, #tpu.memory_space<semaphore_mem>>) src(%dma_wait3A_107 : memref<1000x128xf32, #tpu.memory_space<hbm>>) dst(%dma_wait3A_101 : memref<128x128xf32, #tpu.memory_space<vmem>>)
    %add3A_108 = arith.constant 0 : i32
    %add3A_109 = arith.addi %mul3A_2, %add3A_108 : i32
    %run_scoped3A_110 = arith.constant 0 : i32
    "tpu.region"() ({
      %run_scoped3A_120 = tpu.sem_alloc : memref<!tpu.dma_semaphore, #tpu.memory_space<semaphore_mem>>
      %dma_start3A_121 = arith.constant 0 : i32
      %dma_start3A_122 = arith.constant 0 : i32
      %dma_start3A_123 = tpu.memref_slice %arg6[%run_scoped3A_110, %dma_start3A_121, %dma_start3A_122] : memref<4x128x128xf32, #tpu.memory_space<vmem>> -> memref<1x128x128xf32, #tpu.memory_space<vmem>>
      %dma_start3A_124 = tpu.memref_squeeze %dma_start3A_123 : memref<1x128x128xf32, #tpu.memory_space<vmem>> -> memref<128x128xf32, #tpu.memory_space<vmem>>
      %dma_start3A_125 = arith.constant 0 : i32
      %dma_start3A_126 = tpu.memref_slice %arg4[%add3A_109, %dma_start3A_125] : memref<16384x128xf32, #tpu.memory_space<hbm>> -> memref<128x128xf32, #tpu.memory_space<hbm>>
      %dma_start3A_127 = arith.constant 0 : i32
      %dma_start3A_128 = tpu.memref_slice %arg4[%add3A_109, %dma_start3A_127] : memref<16384x128xf32, #tpu.memory_space<hbm>> -> memref<128x128xf32, #tpu.memory_space<hbm>>
      %dma_start3A_129 = arith.constant 0 : i32
      %dma_start3A_130 = arith.constant 0 : i32
      %dma_start3A_131 = tpu.memref_slice %arg6[%run_scoped3A_110, %dma_start3A_129, %dma_start3A_130] : memref<4x128x128xf32, #tpu.memory_space<vmem>> -> memref<1x128x128xf32, #tpu.memory_space<vmem>>
      %dma_start3A_132 = tpu.memref_squeeze %dma_start3A_131 : memref<1x128x128xf32, #tpu.memory_space<vmem>> -> memref<128x128xf32, #tpu.memory_space<vmem>>
      tpu.enqueue_dma source(%dma_start3A_132 : memref<128x128xf32, #tpu.memory_space<vmem>>) target(%dma_start3A_128 : memref<128x128xf32, #tpu.memory_space<hbm>>) target_semaphore(%run_scoped3A_120 : memref<!tpu.dma_semaphore, #tpu.memory_space<semaphore_mem>>)
      %dma_wait3A_133 = arith.constant 0 : i32
      %dma_wait3A_134 = arith.constant 0 : i32
      %dma_wait3A_135 = tpu.memref_slice %arg6[%run_scoped3A_110, %dma_wait3A_133, %dma_wait3A_134] : memref<4x128x128xf32, #tpu.memory_space<vmem>> -> memref<1x128x128xf32, #tpu.memory_space<vmem>>
      %dma_wait3A_136 = tpu.memref_squeeze %dma_wait3A_135 : memref<1x128x128xf32, #tpu.memory_space<vmem>> -> memref<128x128xf32, #tpu.memory_space<vmem>>
      %dma_wait3A_137 = arith.constant 0 : i32
      %dma_wait3A_138 = tpu.memref_slice %arg4[%add3A_109, %dma_wait3A_137] : memref<16384x128xf32, #tpu.memory_space<hbm>> -> memref<128x128xf32, #tpu.memory_space<hbm>>
      %dma_wait3A_139 = arith.constant 0 : i32
      %dma_wait3A_140 = tpu.memref_slice %arg4[%add3A_109, %dma_wait3A_139] : memref<16384x128xf32, #tpu.memory_space<hbm>> -> memref<128x128xf32, #tpu.memory_space<hbm>>
      %dma_wait3A_141 = arith.constant 0 : i32
      %dma_wait3A_142 = arith.constant 0 : i32
      %dma_wait3A_143 = tpu.memref_slice %arg6[%run_scoped3A_110, %dma_wait3A_141, %dma_wait3A_142] : memref<4x128x128xf32, #tpu.memory_space<vmem>> -> memref<1x128x128xf32, #tpu.memory_space<vmem>>
      %dma_wait3A_144 = tpu.memref_squeeze %dma_wait3A_143 : memref<1x128x128xf32, #tpu.memory_space<vmem>> -> memref<128x128xf32, #tpu.memory_space<vmem>>
      tpu.wait_dma2 semaphore(%run_scoped3A_120 : memref<!tpu.dma_semaphore, #tpu.memory_space<semaphore_mem>>) src(%dma_wait3A_144 : memref<128x128xf32, #tpu.memory_space<vmem>>) dst(%dma_wait3A_140 : memref<128x128xf32, #tpu.memory_space<hbm>>)
      tpu.yield
    }) : () -> ()
    %add3A_111 = arith.constant 128 : i32
    %add3A_112 = arith.addi %mul3A_2, %add3A_111 : i32
    %run_scoped3A_113 = arith.constant 1 : i32
    "tpu.region"() ({
      %run_scoped3A_120 = tpu.sem_alloc : memref<!tpu.dma_semaphore, #tpu.memory_space<semaphore_mem>>
      %dma_start3A_121 = arith.constant 0 : i32
      %dma_start3A_122 = arith.constant 0 : i32
      %dma_start3A_123 = tpu.memref_slice %arg6[%run_scoped3A_113, %dma_start3A_121, %dma_start3A_122] : memref<4x128x128xf32, #tpu.memory_space<vmem>> -> memref<1x128x128xf32, #tpu.memory_space<vmem>>
      %dma_start3A_124 = tpu.memref_squeeze %dma_start3A_123 : memref<1x128x128xf32, #tpu.memory_space<vmem>> -> memref<128x128xf32, #tpu.memory_space<vmem>>
      %dma_start3A_125 = arith.constant 0 : i32
      %dma_start3A_126 = tpu.memref_slice %arg4[%add3A_112, %dma_start3A_125] : memref<16384x128xf32, #tpu.memory_space<hbm>> -> memref<128x128xf32, #tpu.memory_space<hbm>>
      %dma_start3A_127 = arith.constant 0 : i32
      %dma_start3A_128 = tpu.memref_slice %arg4[%add3A_112, %dma_start3A_127] : memref<16384x128xf32, #tpu.memory_space<hbm>> -> memref<128x128xf32, #tpu.memory_space<hbm>>
      %dma_start3A_129 = arith.constant 0 : i32
      %dma_start3A_130 = arith.constant 0 : i32
      %dma_start3A_131 = tpu.memref_slice %arg6[%run_scoped3A_113, %dma_start3A_129, %dma_start3A_130] : memref<4x128x128xf32, #tpu.memory_space<vmem>> -> memref<1x128x128xf32, #tpu.memory_space<vmem>>
      %dma_start3A_132 = tpu.memref_squeeze %dma_start3A_131 : memref<1x128x128xf32, #tpu.memory_space<vmem>> -> memref<128x128xf32, #tpu.memory_space<vmem>>
      tpu.enqueue_dma source(%dma_start3A_132 : memref<128x128xf32, #tpu.memory_space<vmem>>) target(%dma_start3A_128 : memref<128x128xf32, #tpu.memory_space<hbm>>) target_semaphore(%run_scoped3A_120 : memref<!tpu.dma_semaphore, #tpu.memory_space<semaphore_mem>>)
      %dma_wait3A_133 = arith.constant 0 : i32
      %dma_wait3A_134 = arith.constant 0 : i32
      %dma_wait3A_135 = tpu.memref_slice %arg6[%run_scoped3A_113, %dma_wait3A_133, %dma_wait3A_134] : memref<4x128x128xf32, #tpu.memory_space<vmem>> -> memref<1x128x128xf32, #tpu.memory_space<vmem>>
      %dma_wait3A_136 = tpu.memref_squeeze %dma_wait3A_135 : memref<1x128x128xf32, #tpu.memory_space<vmem>> -> memref<128x128xf32, #tpu.memory_space<vmem>>
      %dma_wait3A_137 = arith.constant 0 : i32
      %dma_wait3A_138 = tpu.memref_slice %arg4[%add3A_112, %dma_wait3A_137] : memref<16384x128xf32, #tpu.memory_space<hbm>> -> memref<128x128xf32, #tpu.memory_space<hbm>>
      %dma_wait3A_139 = arith.constant 0 : i32
      %dma_wait3A_140 = tpu.memref_slice %arg4[%add3A_112, %dma_wait3A_139] : memref<16384x128xf32, #tpu.memory_space<hbm>> -> memref<128x128xf32, #tpu.memory_space<hbm>>
      %dma_wait3A_141 = arith.constant 0 : i32
      %dma_wait3A_142 = arith.constant 0 : i32
      %dma_wait3A_143 = tpu.memref_slice %arg6[%run_scoped3A_113, %dma_wait3A_141, %dma_wait3A_142] : memref<4x128x128xf32, #tpu.memory_space<vmem>> -> memref<1x128x128xf32, #tpu.memory_space<vmem>>
      %dma_wait3A_144 = tpu.memref_squeeze %dma_wait3A_143 : memref<1x128x128xf32, #tpu.memory_space<vmem>> -> memref<128x128xf32, #tpu.memory_space<vmem>>
      tpu.wait_dma2 semaphore(%run_scoped3A_120 : memref<!tpu.dma_semaphore, #tpu.memory_space<semaphore_mem>>) src(%dma_wait3A_144 : memref<128x128xf32, #tpu.memory_space<vmem>>) dst(%dma_wait3A_140 : memref<128x128xf32, #tpu.memory_space<hbm>>)
      tpu.yield
    }) : () -> ()
    %add3A_114 = arith.constant 256 : i32
    %add3A_115 = arith.addi %mul3A_2, %add3A_114 : i32
    %run_scoped3A_116 = arith.constant 2 : i32
    "tpu.region"() ({
      %run_scoped3A_120 = tpu.sem_alloc : memref<!tpu.dma_semaphore, #tpu.memory_space<semaphore_mem>>
      %dma_start3A_121 = arith.constant 0 : i32
      %dma_start3A_122 = arith.constant 0 : i32
      %dma_start3A_123 = tpu.memref_slice %arg6[%run_scoped3A_116, %dma_start3A_121, %dma_start3A_122] : memref<4x128x128xf32, #tpu.memory_space<vmem>> -> memref<1x128x128xf32, #tpu.memory_space<vmem>>
      %dma_start3A_124 = tpu.memref_squeeze %dma_start3A_123 : memref<1x128x128xf32, #tpu.memory_space<vmem>> -> memref<128x128xf32, #tpu.memory_space<vmem>>
      %dma_start3A_125 = arith.constant 0 : i32
      %dma_start3A_126 = tpu.memref_slice %arg4[%add3A_115, %dma_start3A_125] : memref<16384x128xf32, #tpu.memory_space<hbm>> -> memref<128x128xf32, #tpu.memory_space<hbm>>
      %dma_start3A_127 = arith.constant 0 : i32
      %dma_start3A_128 = tpu.memref_slice %arg4[%add3A_115, %dma_start3A_127] : memref<16384x128xf32, #tpu.memory_space<hbm>> -> memref<128x128xf32, #tpu.memory_space<hbm>>
      %dma_start3A_129 = arith.constant 0 : i32
      %dma_start3A_130 = arith.constant 0 : i32
      %dma_start3A_131 = tpu.memref_slice %arg6[%run_scoped3A_116, %dma_start3A_129, %dma_start3A_130] : memref<4x128x128xf32, #tpu.memory_space<vmem>> -> memref<1x128x128xf32, #tpu.memory_space<vmem>>
      %dma_start3A_132 = tpu.memref_squeeze %dma_start3A_131 : memref<1x128x128xf32, #tpu.memory_space<vmem>> -> memref<128x128xf32, #tpu.memory_space<vmem>>
      tpu.enqueue_dma source(%dma_start3A_132 : memref<128x128xf32, #tpu.memory_space<vmem>>) target(%dma_start3A_128 : memref<128x128xf32, #tpu.memory_space<hbm>>) target_semaphore(%run_scoped3A_120 : memref<!tpu.dma_semaphore, #tpu.memory_space<semaphore_mem>>)
      %dma_wait3A_133 = arith.constant 0 : i32
      %dma_wait3A_134 = arith.constant 0 : i32
      %dma_wait3A_135 = tpu.memref_slice %arg6[%run_scoped3A_116, %dma_wait3A_133, %dma_wait3A_134] : memref<4x128x128xf32, #tpu.memory_space<vmem>> -> memref<1x128x128xf32, #tpu.memory_space<vmem>>
      %dma_wait3A_136 = tpu.memref_squeeze %dma_wait3A_135 : memref<1x128x128xf32, #tpu.memory_space<vmem>> -> memref<128x128xf32, #tpu.memory_space<vmem>>
      %dma_wait3A_137 = arith.constant 0 : i32
      %dma_wait3A_138 = tpu.memref_slice %arg4[%add3A_115, %dma_wait3A_137] : memref<16384x128xf32, #tpu.memory_space<hbm>> -> memref<128x128xf32, #tpu.memory_space<hbm>>
      %dma_wait3A_139 = arith.constant 0 : i32
      %dma_wait3A_140 = tpu.memref_slice %arg4[%add3A_115, %dma_wait3A_139] : memref<16384x128xf32, #tpu.memory_space<hbm>> -> memref<128x128xf32, #tpu.memory_space<hbm>>
      %dma_wait3A_141 = arith.constant 0 : i32
      %dma_wait3A_142 = arith.constant 0 : i32
      %dma_wait3A_143 = tpu.memref_slice %arg6[%run_scoped3A_116, %dma_wait3A_141, %dma_wait3A_142] : memref<4x128x128xf32, #tpu.memory_space<vmem>> -> memref<1x128x128xf32, #tpu.memory_space<vmem>>
      %dma_wait3A_144 = tpu.memref_squeeze %dma_wait3A_143 : memref<1x128x128xf32, #tpu.memory_space<vmem>> -> memref<128x128xf32, #tpu.memory_space<vmem>>
      tpu.wait_dma2 semaphore(%run_scoped3A_120 : memref<!tpu.dma_semaphore, #tpu.memory_space<semaphore_mem>>) src(%dma_wait3A_144 : memref<128x128xf32, #tpu.memory_space<vmem>>) dst(%dma_wait3A_140 : memref<128x128xf32, #tpu.memory_space<hbm>>)
      tpu.yield
    }) : () -> ()
    %add3A_117 = arith.constant 384 : i32
    %add3A_118 = arith.addi %mul3A_2, %add3A_117 : i32
    %run_scoped3A_119 = arith.constant 3 : i32
    "tpu.region"() ({
      %run_scoped3A_120 = tpu.sem_alloc : memref<!tpu.dma_semaphore, #tpu.memory_space<semaphore_mem>>
      %dma_start3A_121 = arith.constant 0 : i32
      %dma_start3A_122 = arith.constant 0 : i32
      %dma_start3A_123 = tpu.memref_slice %arg6[%run_scoped3A_119, %dma_start3A_121, %dma_start3A_122] : memref<4x128x128xf32, #tpu.memory_space<vmem>> -> memref<1x128x128xf32, #tpu.memory_space<vmem>>
      %dma_start3A_124 = tpu.memref_squeeze %dma_start3A_123 : memref<1x128x128xf32, #tpu.memory_space<vmem>> -> memref<128x128xf32, #tpu.memory_space<vmem>>
      %dma_start3A_125 = arith.constant 0 : i32
      %dma_start3A_126 = tpu.memref_slice %arg4[%add3A_118, %dma_start3A_125] : memref<16384x128xf32, #tpu.memory_space<hbm>> -> memref<128x128xf32, #tpu.memory_space<hbm>>
      %dma_start3A_127 = arith.constant 0 : i32
      %dma_start3A_128 = tpu.memref_slice %arg4[%add3A_118, %dma_start3A_127] : memref<16384x128xf32, #tpu.memory_space<hbm>> -> memref<128x128xf32, #tpu.memory_space<hbm>>
      %dma_start3A_129 = arith.constant 0 : i32
      %dma_start3A_130 = arith.constant 0 : i32
      %dma_start3A_131 = tpu.memref_slice %arg6[%run_scoped3A_119, %dma_start3A_129, %dma_start3A_130] : memref<4x128x128xf32, #tpu.memory_space<vmem>> -> memref<1x128x128xf32, #tpu.memory_space<vmem>>
      %dma_start3A_132 = tpu.memref_squeeze %dma_start3A_131 : memref<1x128x128xf32, #tpu.memory_space<vmem>> -> memref<128x128xf32, #tpu.memory_space<vmem>>
      tpu.enqueue_dma source(%dma_start3A_132 : memref<128x128xf32, #tpu.memory_space<vmem>>) target(%dma_start3A_128 : memref<128x128xf32, #tpu.memory_space<hbm>>) target_semaphore(%run_scoped3A_120 : memref<!tpu.dma_semaphore, #tpu.memory_space<semaphore_mem>>)
      %dma_wait3A_133 = arith.constant 0 : i32
      %dma_wait3A_134 = arith.constant 0 : i32
      %dma_wait3A_135 = tpu.memref_slice %arg6[%run_scoped3A_119, %dma_wait3A_133, %dma_wait3A_134] : memref<4x128x128xf32, #tpu.memory_space<vmem>> -> memref<1x128x128xf32, #tpu.memory_space<vmem>>
      %dma_wait3A_136 = tpu.memref_squeeze %dma_wait3A_135 : memref<1x128x128xf32, #tpu.memory_space<vmem>> -> memref<128x128xf32, #tpu.memory_space<vmem>>
      %dma_wait3A_137 = arith.constant 0 : i32
      %dma_wait3A_138 = tpu.memref_slice %arg4[%add3A_118, %dma_wait3A_137] : memref<16384x128xf32, #tpu.memory_space<hbm>> -> memref<128x128xf32, #tpu.memory_space<hbm>>
      %dma_wait3A_139 = arith.constant 0 : i32
      %dma_wait3A_140 = tpu.memref_slice %arg4[%add3A_118, %dma_wait3A_139] : memref<16384x128xf32, #tpu.memory_space<hbm>> -> memref<128x128xf32, #tpu.memory_space<hbm>>
      %dma_wait3A_141 = arith.constant 0 : i32
      %dma_wait3A_142 = arith.constant 0 : i32
      %dma_wait3A_143 = tpu.memref_slice %arg6[%run_scoped3A_119, %dma_wait3A_141, %dma_wait3A_142] : memref<4x128x128xf32, #tpu.memory_space<vmem>> -> memref<1x128x128xf32, #tpu.memory_space<vmem>>
      %dma_wait3A_144 = tpu.memref_squeeze %dma_wait3A_143 : memref<1x128x128xf32, #tpu.memory_space<vmem>> -> memref<128x128xf32, #tpu.memory_space<vmem>>
      tpu.wait_dma2 semaphore(%run_scoped3A_120 : memref<!tpu.dma_semaphore, #tpu.memory_space<semaphore_mem>>) src(%dma_wait3A_144 : memref<128x128xf32, #tpu.memory_space<vmem>>) dst(%dma_wait3A_140 : memref<128x128xf32, #tpu.memory_space<hbm>>)
      tpu.yield
    }) : () -> ()
    return
  }
}

module attributes {stable_mosaic.version = 14 : i64} {
  func.func @_tc_body(%arg0: i32, %arg1: memref<64x8192xf32, #tpu.memory_space<vmem>>, %arg2: memref<8192x128xf32, #tpu.memory_space<vmem>>, %arg3: memref<1x1722xf32, #tpu.memory_space<vmem>>, %arg4: memref<2x64x80xf32, #tpu.memory_space<vmem>>, %arg5: memref<80x80xf32, #tpu.memory_space<vmem>>, %arg6: memref<64x80xf32, #tpu.memory_space<vmem>>, %arg7: memref<64x80xf32, #tpu.memory_space<vmem>>, %arg8: memref<2x80x64xf32, #tpu.memory_space<vmem>>, %arg9: memref<40x80xf32, #tpu.memory_space<vmem>>, %arg10: memref<1x40xf32, #tpu.memory_space<vmem>>, %arg11: memref<128x160xf32, #tpu.memory_space<vmem>>, %arg12: memref<128x128xf32, #tpu.memory_space<vmem>>, %arg13: memref<64x128xf32, #tpu.memory_space<vmem>>, %arg14: memref<128x144xf32, #tpu.memory_space<vmem>>, %arg15: memref<128x144xf32, #tpu.memory_space<vmem>>, %arg16: memref<64x128xf32, #tpu.memory_space<vmem>>, %arg17: memref<128x128xf32, #tpu.memory_space<vmem>>, %arg18: memref<1x64xf32, #tpu.memory_space<vmem>>, %arg19: memref<80x128xf32, #tpu.memory_space<vmem>>, %arg20: memref<128x160xf32, #tpu.memory_space<vmem>>, %arg21: memref<128x128xf32, #tpu.memory_space<vmem>>, %arg22: memref<80x128xf32, #tpu.memory_space<vmem>>, %arg23: memref<80x8192xf32, #tpu.memory_space<vmem>>, %arg24: memref<1x8192xf32, #tpu.memory_space<vmem>>, %arg25: memref<212x80xf32, #tpu.memory_space<vmem>>, %arg26: memref<200x208xf32, #tpu.memory_space<vmem>>, %arg27: memref<256x144xf32, #tpu.memory_space<vmem>>, %arg28: memref<192x256xf32, #tpu.memory_space<vmem>>, %arg29: memref<81x192xf32, #tpu.memory_space<vmem>>, %arg30: memref<212x1xf32, #tpu.memory_space<vmem>>, %arg31: memref<200x1xf32, #tpu.memory_space<vmem>>, %arg32: memref<1x1xf32, #tpu.memory_space<vmem>>, %arg33: memref<128x1xf32, #tpu.memory_space<vmem>>, %arg34: memref<128x1xf32, #tpu.memory_space<vmem>>, %arg35: memref<64x1xf32, #tpu.memory_space<vmem>>, %arg36: memref<256x1xf32, #tpu.memory_space<vmem>>, %arg37: memref<192x1xf32, #tpu.memory_space<vmem>>, %arg38: memref<81x1xf32, #tpu.memory_space<vmem>>, %arg39: memref<128x1xf32, #tpu.memory_space<vmem>>, %arg40: memref<128x1xf32, #tpu.memory_space<vmem>>, %arg41: memref<80x1xf32, #tpu.memory_space<vmem>>) attributes {dimension_semantics = [#tpu.dimension_semantics<arbitrary>], iteration_bounds = array<i64: 2>, scalar_prefetch = 0 : i64, scratch_operands = 17 : i64, tpu.core_type = #tpu.core_type<tc>, window_params = [{transform_indices = @transform_0, window_bounds = array<i64: 64, 8192>}, {transform_indices = @transform_1, window_bounds = array<i64: 8192, 128>}, {pipeline_mode = #tpu.pipeline_mode<synchronous>, transform_indices = @transform_2, window_bounds = array<i64: 1, 1722>}, {pipeline_mode = #tpu.pipeline_mode<synchronous>, transform_indices = @transform_3, window_bounds = array<i64: 2, 64, 80>}, {pipeline_mode = #tpu.pipeline_mode<synchronous>, transform_indices = @transform_4, window_bounds = array<i64: 80, 80>}, {pipeline_mode = #tpu.pipeline_mode<synchronous>, transform_indices = @transform_5, window_bounds = array<i64: 64, 80>}, {pipeline_mode = #tpu.pipeline_mode<synchronous>, transform_indices = @transform_6, window_bounds = array<i64: 64, 80>}, {pipeline_mode = #tpu.pipeline_mode<synchronous>, transform_indices = @transform_7, window_bounds = array<i64: 2, 80, 64>}, {pipeline_mode = #tpu.pipeline_mode<synchronous>, transform_indices = @transform_8, window_bounds = array<i64: 40, 80>}, {pipeline_mode = #tpu.pipeline_mode<synchronous>, transform_indices = @transform_9, window_bounds = array<i64: 1, 40>}, {pipeline_mode = #tpu.pipeline_mode<synchronous>, transform_indices = @transform_10, window_bounds = array<i64: 128, 160>}, {pipeline_mode = #tpu.pipeline_mode<synchronous>, transform_indices = @transform_11, window_bounds = array<i64: 128, 128>}, {pipeline_mode = #tpu.pipeline_mode<synchronous>, transform_indices = @transform_12, window_bounds = array<i64: 64, 128>}, {pipeline_mode = #tpu.pipeline_mode<synchronous>, transform_indices = @transform_13, window_bounds = array<i64: 128, 144>}, {pipeline_mode = #tpu.pipeline_mode<synchronous>, transform_indices = @transform_14, window_bounds = array<i64: 128, 144>}, {pipeline_mode = #tpu.pipeline_mode<synchronous>, transform_indices = @transform_15, window_bounds = array<i64: 64, 128>}, {pipeline_mode = #tpu.pipeline_mode<synchronous>, transform_indices = @transform_16, window_bounds = array<i64: 128, 128>}, {pipeline_mode = #tpu.pipeline_mode<synchronous>, transform_indices = @transform_17, window_bounds = array<i64: 1, 64>}, {pipeline_mode = #tpu.pipeline_mode<synchronous>, transform_indices = @transform_18, window_bounds = array<i64: 80, 128>}, {pipeline_mode = #tpu.pipeline_mode<synchronous>, transform_indices = @transform_19, window_bounds = array<i64: 128, 160>}, {pipeline_mode = #tpu.pipeline_mode<synchronous>, transform_indices = @transform_20, window_bounds = array<i64: 128, 128>}, {pipeline_mode = #tpu.pipeline_mode<synchronous>, transform_indices = @transform_21, window_bounds = array<i64: 80, 128>}, {transform_indices = @transform_22, window_bounds = array<i64: 80, 8192>}, {transform_indices = @transform_23, window_bounds = array<i64: 1, 8192>}]} {
    %eq3A = arith.constant 0 : i32
    %eq3A_0 = arith.cmpi eq, %arg0, %eq3A : i32
    %convert_element_type3A = arith.extui %eq3A_0 : i1 to i32
    %cond3A = arith.constant 0 : i32
    %cond3A_1 = arith.cmpi ne, %convert_element_type3A, %cond3A : i32
    scf.if %cond3A_1 {
      %get3A_392 = arith.constant 0 : index
      %get3A_393 = arith.constant 0 : index
      %get3A_394 = vector.load %arg3[%get3A_392, %get3A_393] : memref<1x1722xf32, #tpu.memory_space<vmem>>, vector<1x1722xf32>
      %transpose3A_395 = tpu.transpose %get3A_394, [1, 0] : vector<1x1722xf32> -> vector<1722x1xf32>
      %get3A_396 = arith.constant 0 : index
      %get3A_397 = arith.constant 0 : index
      %get3A_398 = arith.constant 0 : index
      %get3A_399 = vector.load %arg4[%get3A_396, %get3A_397, %get3A_398] : memref<2x64x80xf32, #tpu.memory_space<vmem>>, vector<1x64x80xf32>
      %get3A_400 = vector.shape_cast %get3A_399 : vector<1x64x80xf32> to vector<64x80xf32>
      %swap3A_401 = arith.constant 0 : index
      %swap3A_402 = arith.constant 0 : index
      %swap3A_403 = vector.load %arg25[%swap3A_401, %swap3A_402] : memref<212x80xf32, #tpu.memory_space<vmem>>, vector<64x80xf32>
      tpu.vector_store %arg25[%swap3A_401, %swap3A_402], %get3A_400 {strides = array<i32>} : memref<212x80xf32, #tpu.memory_space<vmem>>, vector<64x80xf32>,
      %get3A_404 = arith.constant 1 : index
      %get3A_405 = arith.constant 0 : index
      %get3A_406 = arith.constant 0 : index
      %get3A_407 = vector.load %arg4[%get3A_404, %get3A_405, %get3A_406] : memref<2x64x80xf32, #tpu.memory_space<vmem>>, vector<1x64x80xf32>
      %get3A_408 = vector.shape_cast %get3A_407 : vector<1x64x80xf32> to vector<64x80xf32>
      %swap3A_409 = arith.constant 64 : index
      %swap3A_410 = arith.constant 0 : index
      %swap3A_411 = vector.load %arg25[%swap3A_409, %swap3A_410] : memref<212x80xf32, #tpu.memory_space<vmem>>, vector<64x80xf32>
      tpu.vector_store %arg25[%swap3A_409, %swap3A_410], %get3A_408 {strides = array<i32>} : memref<212x80xf32, #tpu.memory_space<vmem>>, vector<64x80xf32>,
      %get3A_412 = arith.constant 0 : index
      %get3A_413 = arith.constant 0 : index
      %get3A_414 = vector.load %arg5[%get3A_412, %get3A_413] : memref<80x80xf32, #tpu.memory_space<vmem>>, vector<80x80xf32>
      %swap3A_415 = arith.constant 128 : index
      %swap3A_416 = arith.constant 0 : index
      %swap3A_417 = vector.load %arg25[%swap3A_415, %swap3A_416] : memref<212x80xf32, #tpu.memory_space<vmem>>, vector<80x80xf32>
      tpu.vector_store %arg25[%swap3A_415, %swap3A_416], %get3A_414 {strides = array<i32>} : memref<212x80xf32, #tpu.memory_space<vmem>>, vector<80x80xf32>,
      %get3A_418 = arith.constant 0 : index
      %get3A_419 = arith.constant 0 : index
      %get3A_420 = vector.load %arg6[%get3A_418, %get3A_419] : memref<64x80xf32, #tpu.memory_space<vmem>>, vector<2x80xf32>
      %swap3A_421 = arith.constant 208 : index
      %swap3A_422 = arith.constant 0 : index
      %swap3A_423 = vector.load %arg25[%swap3A_421, %swap3A_422] : memref<212x80xf32, #tpu.memory_space<vmem>>, vector<2x80xf32>
      tpu.vector_store %arg25[%swap3A_421, %swap3A_422], %get3A_420 {strides = array<i32>} : memref<212x80xf32, #tpu.memory_space<vmem>>, vector<2x80xf32>,
      %get3A_424 = arith.constant 0 : index
      %get3A_425 = arith.constant 0 : index
      %get3A_426 = vector.load %arg7[%get3A_424, %get3A_425] : memref<64x80xf32, #tpu.memory_space<vmem>>, vector<2x80xf32>
      %swap3A_427 = arith.constant 210 : index
      %swap3A_428 = arith.constant 0 : index
      %swap3A_429 = vector.load %arg25[%swap3A_427, %swap3A_428] : memref<212x80xf32, #tpu.memory_space<vmem>>, vector<2x80xf32>
      tpu.vector_store %arg25[%swap3A_427, %swap3A_428], %get3A_426 {strides = array<i32>} : memref<212x80xf32, #tpu.memory_space<vmem>>, vector<2x80xf32>,
      %slice3A_430 = vector.extract_strided_slice %transpose3A_395 {offsets = [0, 0], sizes = [128, 1], strides = [1, 1]} : vector<1722x1xf32> to vector<128x1xf32>
      %swap3A_431 = arith.constant 0 : index
      %swap3A_432 = arith.constant 0 : index
      %swap3A_433 = vector.load %arg30[%swap3A_431, %swap3A_432] : memref<212x1xf32, #tpu.memory_space<vmem>>, vector<128x1xf32>
      tpu.vector_store %arg30[%swap3A_431, %swap3A_432], %slice3A_430 {strides = array<i32>} : memref<212x1xf32, #tpu.memory_space<vmem>>, vector<128x1xf32>,
      %slice3A_434 = vector.extract_strided_slice %transpose3A_395 {offsets = [128, 0], sizes = [80, 1], strides = [1, 1]} : vector<1722x1xf32> to vector<80x1xf32>
      %swap3A_435 = arith.constant 128 : index
      %swap3A_436 = arith.constant 0 : index
      %swap3A_437 = vector.load %arg30[%swap3A_435, %swap3A_436] : memref<212x1xf32, #tpu.memory_space<vmem>>, vector<80x1xf32>
      tpu.vector_store %arg30[%swap3A_435, %swap3A_436], %slice3A_434 {strides = array<i32>} : memref<212x1xf32, #tpu.memory_space<vmem>>, vector<80x1xf32>,
      %slice3A_438 = vector.extract_strided_slice %transpose3A_395 {offsets = [208, 0], sizes = [2, 1], strides = [1, 1]} : vector<1722x1xf32> to vector<2x1xf32>
      %swap3A_439 = arith.constant 208 : index
      %swap3A_440 = arith.constant 0 : index
      %swap3A_441 = vector.load %arg30[%swap3A_439, %swap3A_440] : memref<212x1xf32, #tpu.memory_space<vmem>>, vector<2x1xf32>
      tpu.vector_store %arg30[%swap3A_439, %swap3A_440], %slice3A_438 {strides = array<i32>} : memref<212x1xf32, #tpu.memory_space<vmem>>, vector<2x1xf32>,
      %slice3A_442 = vector.extract_strided_slice %transpose3A_395 {offsets = [272, 0], sizes = [2, 1], strides = [1, 1]} : vector<1722x1xf32> to vector<2x1xf32>
      %swap3A_443 = arith.constant 210 : index
      %swap3A_444 = arith.constant 0 : index
      %swap3A_445 = vector.load %arg30[%swap3A_443, %swap3A_444] : memref<212x1xf32, #tpu.memory_space<vmem>>, vector<2x1xf32>
      tpu.vector_store %arg30[%swap3A_443, %swap3A_444], %slice3A_442 {strides = array<i32>} : memref<212x1xf32, #tpu.memory_space<vmem>>, vector<2x1xf32>,
      %broadcast_in_dim3A_446 = arith.constant 0.000000e+00 : f32
      %broadcast_in_dim3A_447 = vector.broadcast %broadcast_in_dim3A_446 : f32 to vector<200x208xf32>
      %swap3A_448 = arith.constant 0 : index
      %swap3A_449 = arith.constant 0 : index
      %swap3A_450 = vector.load %arg26[%swap3A_448, %swap3A_449] : memref<200x208xf32, #tpu.memory_space<vmem>>, vector<200x208xf32>
      tpu.vector_store %arg26[%swap3A_448, %swap3A_449], %broadcast_in_dim3A_447 {strides = array<i32>} : memref<200x208xf32, #tpu.memory_space<vmem>>, vector<200x208xf32>,
      %get3A_451 = arith.constant 0 : index
      %get3A_452 = arith.constant 0 : index
      %get3A_453 = arith.constant 0 : index
      %get3A_454 = vector.load %arg8[%get3A_451, %get3A_452, %get3A_453] : memref<2x80x64xf32, #tpu.memory_space<vmem>>, vector<1x80x64xf32>
      %get3A_455 = vector.shape_cast %get3A_454 : vector<1x80x64xf32> to vector<80x64xf32>
      %swap3A_456 = arith.constant 0 : index
      %swap3A_457 = arith.constant 0 : index
      %swap3A_458 = vector.load %arg26[%swap3A_456, %swap3A_457] : memref<200x208xf32, #tpu.memory_space<vmem>>, vector<80x64xf32>
      tpu.vector_store %arg26[%swap3A_456, %swap3A_457], %get3A_455 {strides = array<i32>} : memref<200x208xf32, #tpu.memory_space<vmem>>, vector<80x64xf32>,
      %get3A_459 = arith.constant 1 : index
      %get3A_460 = arith.constant 0 : index
      %get3A_461 = arith.constant 0 : index
      %get3A_462 = vector.load %arg8[%get3A_459, %get3A_460, %get3A_461] : memref<2x80x64xf32, #tpu.memory_space<vmem>>, vector<1x80x64xf32>
      %get3A_463 = vector.shape_cast %get3A_462 : vector<1x80x64xf32> to vector<80x64xf32>
      %swap3A_464 = arith.constant 80 : index
      %swap3A_465 = arith.constant 64 : index
      %swap3A_466 = vector.load %arg26[%swap3A_464, %swap3A_465] : memref<200x208xf32, #tpu.memory_space<vmem>>, vector<80x64xf32>
      tpu.vector_store %arg26[%swap3A_464, %swap3A_465], %get3A_463 {strides = array<i32>} : memref<200x208xf32, #tpu.memory_space<vmem>>, vector<80x64xf32>,
      %get3A_467 = arith.constant 0 : index
      %get3A_468 = arith.constant 0 : index
      %get3A_469 = vector.load %arg9[%get3A_467, %get3A_468] : memref<40x80xf32, #tpu.memory_space<vmem>>, vector<40x80xf32>
      %swap3A_470 = arith.constant 160 : index
      %swap3A_471 = arith.constant 128 : index
      %swap3A_472 = vector.load %arg26[%swap3A_470, %swap3A_471] : memref<200x208xf32, #tpu.memory_space<vmem>>, vector<40x80xf32>
      tpu.vector_store %arg26[%swap3A_470, %swap3A_471], %get3A_469 {strides = array<i32>} : memref<200x208xf32, #tpu.memory_space<vmem>>, vector<40x80xf32>,
      %slice3A_473 = vector.extract_strided_slice %transpose3A_395 {offsets = [336, 0], sizes = [160, 1], strides = [1, 1]} : vector<1722x1xf32> to vector<160x1xf32>
      %swap3A_474 = arith.constant 0 : index
      %swap3A_475 = arith.constant 0 : index
      %swap3A_476 = vector.load %arg31[%swap3A_474, %swap3A_475] : memref<200x1xf32, #tpu.memory_space<vmem>>, vector<160x1xf32>
      tpu.vector_store %arg31[%swap3A_474, %swap3A_475], %slice3A_473 {strides = array<i32>} : memref<200x1xf32, #tpu.memory_space<vmem>>, vector<160x1xf32>,
      %slice3A_477 = vector.extract_strided_slice %transpose3A_395 {offsets = [496, 0], sizes = [40, 1], strides = [1, 1]} : vector<1722x1xf32> to vector<40x1xf32>
      %swap3A_478 = arith.constant 160 : index
      %swap3A_479 = arith.constant 0 : index
      %swap3A_480 = vector.load %arg31[%swap3A_478, %swap3A_479] : memref<200x1xf32, #tpu.memory_space<vmem>>, vector<40x1xf32>
      tpu.vector_store %arg31[%swap3A_478, %swap3A_479], %slice3A_477 {strides = array<i32>} : memref<200x1xf32, #tpu.memory_space<vmem>>, vector<40x1xf32>,
      %slice3A_481 = vector.extract_strided_slice %transpose3A_395 {offsets = [1720, 0], sizes = [1, 1], strides = [1, 1]} : vector<1722x1xf32> to vector<1x1xf32>
      %swap3A_482 = arith.constant 0 : index
      %swap3A_483 = arith.constant 0 : index
      %swap3A_484 = vector.load %arg32[%swap3A_482, %swap3A_483] : memref<1x1xf32, #tpu.memory_space<vmem>>, vector<1x1xf32>
      tpu.vector_store %arg32[%swap3A_482, %swap3A_483], %slice3A_481 {strides = array<i32>} : memref<1x1xf32, #tpu.memory_space<vmem>>, vector<1x1xf32>,
      %slice3A_485 = vector.extract_strided_slice %transpose3A_395 {offsets = [536, 0], sizes = [128, 1], strides = [1, 1]} : vector<1722x1xf32> to vector<128x1xf32>
      %swap3A_486 = arith.constant 0 : index
      %swap3A_487 = arith.constant 0 : index
      %swap3A_488 = vector.load %arg33[%swap3A_486, %swap3A_487] : memref<128x1xf32, #tpu.memory_space<vmem>>, vector<128x1xf32>
      tpu.vector_store %arg33[%swap3A_486, %swap3A_487], %slice3A_485 {strides = array<i32>} : memref<128x1xf32, #tpu.memory_space<vmem>>, vector<128x1xf32>,
      %slice3A_489 = vector.extract_strided_slice %transpose3A_395 {offsets = [664, 0], sizes = [128, 1], strides = [1, 1]} : vector<1722x1xf32> to vector<128x1xf32>
      %swap3A_490 = arith.constant 0 : index
      %swap3A_491 = arith.constant 0 : index
      %swap3A_492 = vector.load %arg34[%swap3A_490, %swap3A_491] : memref<128x1xf32, #tpu.memory_space<vmem>>, vector<128x1xf32>
      tpu.vector_store %arg34[%swap3A_490, %swap3A_491], %slice3A_489 {strides = array<i32>} : memref<128x1xf32, #tpu.memory_space<vmem>>, vector<128x1xf32>,
      %slice3A_493 = vector.extract_strided_slice %transpose3A_395 {offsets = [792, 0], sizes = [64, 1], strides = [1, 1]} : vector<1722x1xf32> to vector<64x1xf32>
      %swap3A_494 = arith.constant 0 : index
      %swap3A_495 = arith.constant 0 : index
      %swap3A_496 = vector.load %arg35[%swap3A_494, %swap3A_495] : memref<64x1xf32, #tpu.memory_space<vmem>>, vector<64x1xf32>
      tpu.vector_store %arg35[%swap3A_494, %swap3A_495], %slice3A_493 {strides = array<i32>} : memref<64x1xf32, #tpu.memory_space<vmem>>, vector<64x1xf32>,
      %get3A_497 = arith.constant 0 : index
      %get3A_498 = arith.constant 0 : index
      %get3A_499 = vector.load %arg14[%get3A_497, %get3A_498] : memref<128x144xf32, #tpu.memory_space<vmem>>, vector<128x144xf32>
      %swap3A_500 = arith.constant 0 : index
      %swap3A_501 = arith.constant 0 : index
      %swap3A_502 = vector.load %arg27[%swap3A_500, %swap3A_501] : memref<256x144xf32, #tpu.memory_space<vmem>>, vector<128x144xf32>
      tpu.vector_store %arg27[%swap3A_500, %swap3A_501], %get3A_499 {strides = array<i32>} : memref<256x144xf32, #tpu.memory_space<vmem>>, vector<128x144xf32>,
      %get3A_503 = arith.constant 0 : index
      %get3A_504 = arith.constant 0 : index
      %get3A_505 = vector.load %arg15[%get3A_503, %get3A_504] : memref<128x144xf32, #tpu.memory_space<vmem>>, vector<128x144xf32>
      %swap3A_506 = arith.constant 128 : index
      %swap3A_507 = arith.constant 0 : index
      %swap3A_508 = vector.load %arg27[%swap3A_506, %swap3A_507] : memref<256x144xf32, #tpu.memory_space<vmem>>, vector<128x144xf32>
      tpu.vector_store %arg27[%swap3A_506, %swap3A_507], %get3A_505 {strides = array<i32>} : memref<256x144xf32, #tpu.memory_space<vmem>>, vector<128x144xf32>,
      %slice3A_509 = vector.extract_strided_slice %transpose3A_395 {offsets = [856, 0], sizes = [128, 1], strides = [1, 1]} : vector<1722x1xf32> to vector<128x1xf32>
      %swap3A_510 = arith.constant 0 : index
      %swap3A_511 = arith.constant 0 : index
      %swap3A_512 = vector.load %arg36[%swap3A_510, %swap3A_511] : memref<256x1xf32, #tpu.memory_space<vmem>>, vector<128x1xf32>
      tpu.vector_store %arg36[%swap3A_510, %swap3A_511], %slice3A_509 {strides = array<i32>} : memref<256x1xf32, #tpu.memory_space<vmem>>, vector<128x1xf32>,
      %slice3A_513 = vector.extract_strided_slice %transpose3A_395 {offsets = [984, 0], sizes = [128, 1], strides = [1, 1]} : vector<1722x1xf32> to vector<128x1xf32>
      %swap3A_514 = arith.constant 128 : index
      %swap3A_515 = arith.constant 0 : index
      %swap3A_516 = vector.load %arg36[%swap3A_514, %swap3A_515] : memref<256x1xf32, #tpu.memory_space<vmem>>, vector<128x1xf32>
      tpu.vector_store %arg36[%swap3A_514, %swap3A_515], %slice3A_513 {strides = array<i32>} : memref<256x1xf32, #tpu.memory_space<vmem>>, vector<128x1xf32>,
      %broadcast_in_dim3A_517 = arith.constant 0.000000e+00 : f32
      %broadcast_in_dim3A_518 = vector.broadcast %broadcast_in_dim3A_517 : f32 to vector<192x256xf32>
      %swap3A_519 = arith.constant 0 : index
      %swap3A_520 = arith.constant 0 : index
      %swap3A_521 = vector.load %arg28[%swap3A_519, %swap3A_520] : memref<192x256xf32, #tpu.memory_space<vmem>>, vector<192x256xf32>
      tpu.vector_store %arg28[%swap3A_519, %swap3A_520], %broadcast_in_dim3A_518 {strides = array<i32>} : memref<192x256xf32, #tpu.memory_space<vmem>>, vector<192x256xf32>,
      %get3A_522 = arith.constant 0 : index
      %get3A_523 = arith.constant 0 : index
      %get3A_524 = vector.load %arg16[%get3A_522, %get3A_523] : memref<64x128xf32, #tpu.memory_space<vmem>>, vector<64x128xf32>
      %swap3A_525 = arith.constant 0 : index
      %swap3A_526 = arith.constant 0 : index
      %swap3A_527 = vector.load %arg28[%swap3A_525, %swap3A_526] : memref<192x256xf32, #tpu.memory_space<vmem>>, vector<64x128xf32>
      tpu.vector_store %arg28[%swap3A_525, %swap3A_526], %get3A_524 {strides = array<i32>} : memref<192x256xf32, #tpu.memory_space<vmem>>, vector<64x128xf32>,
      %get3A_528 = arith.constant 0 : index
      %get3A_529 = arith.constant 0 : index
      %get3A_530 = vector.load %arg17[%get3A_528, %get3A_529] : memref<128x128xf32, #tpu.memory_space<vmem>>, vector<128x128xf32>
      %swap3A_531 = arith.constant 64 : index
      %swap3A_532 = arith.constant 128 : index
      %swap3A_533 = vector.load %arg28[%swap3A_531, %swap3A_532] : memref<192x256xf32, #tpu.memory_space<vmem>>, vector<128x128xf32>
      tpu.vector_store %arg28[%swap3A_531, %swap3A_532], %get3A_530 {strides = array<i32>} : memref<192x256xf32, #tpu.memory_space<vmem>>, vector<128x128xf32>,
      %slice3A_534 = vector.extract_strided_slice %transpose3A_395 {offsets = [1112, 0], sizes = [64, 1], strides = [1, 1]} : vector<1722x1xf32> to vector<64x1xf32>
      %swap3A_535 = arith.constant 0 : index
      %swap3A_536 = arith.constant 0 : index
      %swap3A_537 = vector.load %arg37[%swap3A_535, %swap3A_536] : memref<192x1xf32, #tpu.memory_space<vmem>>, vector<64x1xf32>
      tpu.vector_store %arg37[%swap3A_535, %swap3A_536], %slice3A_534 {strides = array<i32>} : memref<192x1xf32, #tpu.memory_space<vmem>>, vector<64x1xf32>,
      %slice3A_538 = vector.extract_strided_slice %transpose3A_395 {offsets = [1176, 0], sizes = [128, 1], strides = [1, 1]} : vector<1722x1xf32> to vector<128x1xf32>
      %swap3A_539 = arith.constant 64 : index
      %swap3A_540 = arith.constant 0 : index
      %swap3A_541 = vector.load %arg37[%swap3A_539, %swap3A_540] : memref<192x1xf32, #tpu.memory_space<vmem>>, vector<128x1xf32>
      tpu.vector_store %arg37[%swap3A_539, %swap3A_540], %slice3A_538 {strides = array<i32>} : memref<192x1xf32, #tpu.memory_space<vmem>>, vector<128x1xf32>,
      %broadcast_in_dim3A_542 = arith.constant 0.000000e+00 : f32
      %broadcast_in_dim3A_543 = vector.broadcast %broadcast_in_dim3A_542 : f32 to vector<81x192xf32>
      %swap3A_544 = arith.constant 0 : index
      %swap3A_545 = arith.constant 0 : index
      %swap3A_546 = vector.load %arg29[%swap3A_544, %swap3A_545] : memref<81x192xf32, #tpu.memory_space<vmem>>, vector<81x192xf32>
      tpu.vector_store %arg29[%swap3A_544, %swap3A_545], %broadcast_in_dim3A_543 {strides = array<i32>} : memref<81x192xf32, #tpu.memory_space<vmem>>, vector<81x192xf32>,
      %get3A_547 = arith.constant 0 : index
      %get3A_548 = arith.constant 0 : index
      %get3A_549 = vector.load %arg19[%get3A_547, %get3A_548] : memref<80x128xf32, #tpu.memory_space<vmem>>, vector<80x128xf32>
      %swap3A_550 = arith.constant 0 : index
      %swap3A_551 = arith.constant 64 : index
      %swap3A_552 = vector.load %arg29[%swap3A_550, %swap3A_551] : memref<81x192xf32, #tpu.memory_space<vmem>>, vector<80x128xf32>
      tpu.vector_store %arg29[%swap3A_550, %swap3A_551], %get3A_549 {strides = array<i32>} : memref<81x192xf32, #tpu.memory_space<vmem>>, vector<80x128xf32>,
      %get3A_553 = arith.constant 0 : index
      %get3A_554 = arith.constant 0 : index
      %get3A_555 = vector.load %arg18[%get3A_553, %get3A_554] : memref<1x64xf32, #tpu.memory_space<vmem>>, vector<1x64xf32>
      %swap3A_556 = arith.constant 80 : index
      %swap3A_557 = arith.constant 0 : index
      %swap3A_558 = vector.load %arg29[%swap3A_556, %swap3A_557] : memref<81x192xf32, #tpu.memory_space<vmem>>, vector<1x64xf32>
      tpu.vector_store %arg29[%swap3A_556, %swap3A_557], %get3A_555 {strides = array<i32>} : memref<81x192xf32, #tpu.memory_space<vmem>>, vector<1x64xf32>,
      %slice3A_559 = vector.extract_strided_slice %transpose3A_395 {offsets = [1304, 0], sizes = [80, 1], strides = [1, 1]} : vector<1722x1xf32> to vector<80x1xf32>
      %swap3A_560 = arith.constant 0 : index
      %swap3A_561 = arith.constant 0 : index
      %swap3A_562 = vector.load %arg38[%swap3A_560, %swap3A_561] : memref<81x1xf32, #tpu.memory_space<vmem>>, vector<80x1xf32>
      tpu.vector_store %arg38[%swap3A_560, %swap3A_561], %slice3A_559 {strides = array<i32>} : memref<81x1xf32, #tpu.memory_space<vmem>>, vector<80x1xf32>,
      %slice3A_563 = vector.extract_strided_slice %transpose3A_395 {offsets = [1721, 0], sizes = [1, 1], strides = [1, 1]} : vector<1722x1xf32> to vector<1x1xf32>
      %swap3A_564 = arith.constant 80 : index
      %swap3A_565 = arith.constant 0 : index
      %swap3A_566 = vector.load %arg38[%swap3A_564, %swap3A_565] : memref<81x1xf32, #tpu.memory_space<vmem>>, vector<1x1xf32>
      tpu.vector_store %arg38[%swap3A_564, %swap3A_565], %slice3A_563 {strides = array<i32>} : memref<81x1xf32, #tpu.memory_space<vmem>>, vector<1x1xf32>,
      %slice3A_567 = vector.extract_strided_slice %transpose3A_395 {offsets = [1384, 0], sizes = [128, 1], strides = [1, 1]} : vector<1722x1xf32> to vector<128x1xf32>
      %swap3A_568 = arith.constant 0 : index
      %swap3A_569 = arith.constant 0 : index
      %swap3A_570 = vector.load %arg39[%swap3A_568, %swap3A_569] : memref<128x1xf32, #tpu.memory_space<vmem>>, vector<128x1xf32>
      tpu.vector_store %arg39[%swap3A_568, %swap3A_569], %slice3A_567 {strides = array<i32>} : memref<128x1xf32, #tpu.memory_space<vmem>>, vector<128x1xf32>,
      %slice3A_571 = vector.extract_strided_slice %transpose3A_395 {offsets = [1512, 0], sizes = [128, 1], strides = [1, 1]} : vector<1722x1xf32> to vector<128x1xf32>
      %swap3A_572 = arith.constant 0 : index
      %swap3A_573 = arith.constant 0 : index
      %swap3A_574 = vector.load %arg40[%swap3A_572, %swap3A_573] : memref<128x1xf32, #tpu.memory_space<vmem>>, vector<128x1xf32>
      tpu.vector_store %arg40[%swap3A_572, %swap3A_573], %slice3A_571 {strides = array<i32>} : memref<128x1xf32, #tpu.memory_space<vmem>>, vector<128x1xf32>,
      %slice3A_575 = vector.extract_strided_slice %transpose3A_395 {offsets = [1640, 0], sizes = [80, 1], strides = [1, 1]} : vector<1722x1xf32> to vector<80x1xf32>
      %swap3A_576 = arith.constant 0 : index
      %swap3A_577 = arith.constant 0 : index
      %swap3A_578 = vector.load %arg41[%swap3A_576, %swap3A_577] : memref<80x1xf32, #tpu.memory_space<vmem>>, vector<80x1xf32>
      tpu.vector_store %arg41[%swap3A_576, %swap3A_577], %slice3A_575 {strides = array<i32>} : memref<80x1xf32, #tpu.memory_space<vmem>>, vector<80x1xf32>,
    } else {
    }
    %get3A = arith.constant 0 : index
    %get3A_2 = arith.constant 0 : index
    %get3A_3 = vector.load %arg1[%get3A, %get3A_2] : memref<64x8192xf32, #tpu.memory_space<vmem>>, vector<64x8192xf32>
    %get3A_4 = arith.constant 0 : index
    %get3A_5 = arith.constant 0 : index
    %get3A_6 = vector.load %arg2[%get3A_4, %get3A_5] : memref<8192x128xf32, #tpu.memory_space<vmem>>, vector<8192x16xf32>
    %transpose3A = tpu.transpose %get3A_6, [1, 0] : vector<8192x16xf32> -> vector<16x8192xf32>
    %concatenate3A = tpu.concatenate %get3A_3, %transpose3A in 0 : vector<64x8192xf32>, vector<16x8192xf32> -> vector<80x8192xf32>
    %broadcast_in_dim3A = arith.constant 0.000000e+00 : f32
    %broadcast_in_dim3A_7 = vector.broadcast %broadcast_in_dim3A : f32 to vector<1x8192xf32>
    %broadcast_in_dim3A_8 = arith.constant 0.000000e+00 : f32
    %broadcast_in_dim3A_9 = vector.broadcast %broadcast_in_dim3A_8 : f32 to vector<1x8192xf32>
    %get3A_10 = arith.constant 0 : index
    %get3A_11 = arith.constant 0 : index
    %get3A_12 = vector.load %arg25[%get3A_10, %get3A_11] : memref<212x80xf32, #tpu.memory_space<vmem>>, vector<212x80xf32>
    %dot_general3A = arith.constant dense<0.000000e+00> : vector<212x8192xf32>
    %dot_general3A_13 = tpu.matmul %get3A_12, %concatenate3A, %dot_general3A {dimension_numbers = #tpu.dot_dimension_numbers<[1], [0], [0], [1], [0, 0, 1, 1], [], []>, transpose_lhs_hint = false} : vector<212x80xf32>, vector<80x8192xf32>, vector<212x8192xf32> -> vector<212x8192xf32>
    %get3A_14 = arith.constant 0 : index
    %get3A_15 = arith.constant 0 : index
    %get3A_16 = vector.load %arg30[%get3A_14, %get3A_15] : memref<212x1xf32, #tpu.memory_space<vmem>>, vector<212x1xf32>
    %add3A = vector.broadcast %get3A_16 : vector<212x1xf32> to vector<212x8192xf32>
    %add3A_17 = arith.addf %dot_general3A_13, %add3A : vector<212x8192xf32>
    %slice3A = vector.extract_strided_slice %add3A_17 {offsets = [0, 0], sizes = [208, 8192], strides = [1, 1]} : vector<212x8192xf32> to vector<208x8192xf32>
    %max3A = arith.constant 0.000000e+00 : f32
    %max3A_18 = vector.broadcast %max3A : f32 to vector<208x8192xf32>
    %max3A_19 = arith.maximumf %slice3A, %max3A_18 : vector<208x8192xf32>
    %get3A_20 = arith.constant 0 : index
    %get3A_21 = arith.constant 0 : index
    %get3A_22 = vector.load %arg26[%get3A_20, %get3A_21] : memref<200x208xf32, #tpu.memory_space<vmem>>, vector<200x208xf32>
    %dot_general3A_23 = arith.constant dense<0.000000e+00> : vector<200x8192xf32>
    %dot_general3A_24 = tpu.matmul %get3A_22, %max3A_19, %dot_general3A_23 {dimension_numbers = #tpu.dot_dimension_numbers<[1], [0], [0], [1], [0, 0, 1, 1], [], []>, transpose_lhs_hint = false} : vector<200x208xf32>, vector<208x8192xf32>, vector<200x8192xf32> -> vector<200x8192xf32>
    %get3A_25 = arith.constant 0 : index
    %get3A_26 = arith.constant 0 : index
    %get3A_27 = vector.load %arg31[%get3A_25, %get3A_26] : memref<200x1xf32, #tpu.memory_space<vmem>>, vector<200x1xf32>
    %add3A_28 = vector.broadcast %get3A_27 : vector<200x1xf32> to vector<200x8192xf32>
    %add3A_29 = arith.addf %dot_general3A_24, %add3A_28 : vector<200x8192xf32>
    %max3A_30 = arith.constant 0.000000e+00 : f32
    %max3A_31 = vector.broadcast %max3A_30 : f32 to vector<200x8192xf32>
    %max3A_32 = arith.maximumf %add3A_29, %max3A_31 : vector<200x8192xf32>
    %get3A_33 = arith.constant 0 : index
    %get3A_34 = arith.constant 0 : index
    %get3A_35 = vector.load %arg10[%get3A_33, %get3A_34] : memref<1x40xf32, #tpu.memory_space<vmem>>, vector<1x40xf32>
    %slice3A_36 = vector.extract_strided_slice %max3A_32 {offsets = [160, 0], sizes = [40, 8192], strides = [1, 1]} : vector<200x8192xf32> to vector<40x8192xf32>
    %dot_general3A_37 = arith.constant dense<0.000000e+00> : vector<1x8192xf32>
    %dot_general3A_38 = tpu.matmul %get3A_35, %slice3A_36, %dot_general3A_37 {dimension_numbers = #tpu.dot_dimension_numbers<[1], [0], [0], [1], [0, 0, 1, 1], [], []>, transpose_lhs_hint = false} : vector<1x40xf32>, vector<40x8192xf32>, vector<1x8192xf32> -> vector<1x8192xf32>
    %get3A_39 = arith.constant 0 : index
    %get3A_40 = arith.constant 0 : index
    %get3A_41 = vector.load %arg32[%get3A_39, %get3A_40] : memref<1x1xf32, #tpu.memory_space<vmem>>, vector<1x1xf32>
    %add3A_42 = vector.broadcast %get3A_41 : vector<1x1xf32> to vector<1x8192xf32>
    %add3A_43 = arith.addf %dot_general3A_38, %add3A_42 : vector<1x8192xf32>
    %logistic3A = arith.negf %add3A_43 : vector<1x8192xf32>
    %logistic3A_44 = math.exp %logistic3A : vector<1x8192xf32>
    %logistic3A_45 = arith.constant 1.000000e+00 : f32
    %logistic3A_46 = vector.broadcast %logistic3A_45 : f32 to vector<1x8192xf32>
    %logistic3A_47 = arith.addf %logistic3A_46, %logistic3A_44 : vector<1x8192xf32>
    %logistic3A_48 = arith.divf %logistic3A_46, %logistic3A_47 : vector<1x8192xf32>
    %slice3A_49 = vector.extract_strided_slice %add3A_17 {offsets = [208, 0], sizes = [1, 8192], strides = [1, 1]} : vector<212x8192xf32> to vector<1x8192xf32>
    %slice3A_50 = vector.extract_strided_slice %add3A_17 {offsets = [209, 0], sizes = [1, 8192], strides = [1, 1]} : vector<212x8192xf32> to vector<1x8192xf32>
    %sub3A = arith.subf %slice3A_49, %slice3A_50 : vector<1x8192xf32>
    %slice3A_51 = vector.extract_strided_slice %add3A_17 {offsets = [210, 0], sizes = [1, 8192], strides = [1, 1]} : vector<212x8192xf32> to vector<1x8192xf32>
    %slice3A_52 = vector.extract_strided_slice %add3A_17 {offsets = [211, 0], sizes = [1, 8192], strides = [1, 1]} : vector<212x8192xf32> to vector<1x8192xf32>
    %sub3A_53 = arith.subf %slice3A_51, %slice3A_52 : vector<1x8192xf32>
    %logistic3A_54 = arith.negf %sub3A : vector<1x8192xf32>
    %logistic3A_55 = math.exp %logistic3A_54 : vector<1x8192xf32>
    %logistic3A_56 = arith.constant 1.000000e+00 : f32
    %logistic3A_57 = vector.broadcast %logistic3A_56 : f32 to vector<1x8192xf32>
    %logistic3A_58 = arith.addf %logistic3A_57, %logistic3A_55 : vector<1x8192xf32>
    %logistic3A_59 = arith.divf %logistic3A_57, %logistic3A_58 : vector<1x8192xf32>
    %logistic3A_60 = arith.negf %sub3A_53 : vector<1x8192xf32>
    %logistic3A_61 = math.exp %logistic3A_60 : vector<1x8192xf32>
    %logistic3A_62 = arith.constant 1.000000e+00 : f32
    %logistic3A_63 = vector.broadcast %logistic3A_62 : f32 to vector<1x8192xf32>
    %logistic3A_64 = arith.addf %logistic3A_63, %logistic3A_61 : vector<1x8192xf32>
    %logistic3A_65 = arith.divf %logistic3A_63, %logistic3A_64 : vector<1x8192xf32>
    %add3A_66 = arith.addf %logistic3A_59, %logistic3A_65 : vector<1x8192xf32>
    %mul3A = arith.constant 5.000000e-01 : f32
    %mul3A_67 = vector.broadcast %mul3A : f32 to vector<1x8192xf32>
    %mul3A_68 = arith.mulf %add3A_66, %mul3A_67 : vector<1x8192xf32>
    %neg3A = arith.constant 0.000000e+00 : f32
    %neg3A_69 = vector.broadcast %neg3A : f32 to vector<1x8192xf32>
    %neg3A_70 = arith.subf %neg3A_69, %sub3A : vector<1x8192xf32>
    %logistic3A_71 = arith.negf %neg3A_70 : vector<1x8192xf32>
    %logistic3A_72 = math.exp %logistic3A_71 : vector<1x8192xf32>
    %logistic3A_73 = arith.constant 1.000000e+00 : f32
    %logistic3A_74 = vector.broadcast %logistic3A_73 : f32 to vector<1x8192xf32>
    %logistic3A_75 = arith.addf %logistic3A_74, %logistic3A_72 : vector<1x8192xf32>
    %logistic3A_76 = arith.divf %logistic3A_74, %logistic3A_75 : vector<1x8192xf32>
    %neg3A_77 = arith.constant 0.000000e+00 : f32
    %neg3A_78 = vector.broadcast %neg3A_77 : f32 to vector<1x8192xf32>
    %neg3A_79 = arith.subf %neg3A_78, %sub3A_53 : vector<1x8192xf32>
    %logistic3A_80 = arith.negf %neg3A_79 : vector<1x8192xf32>
    %logistic3A_81 = math.exp %logistic3A_80 : vector<1x8192xf32>
    %logistic3A_82 = arith.constant 1.000000e+00 : f32
    %logistic3A_83 = vector.broadcast %logistic3A_82 : f32 to vector<1x8192xf32>
    %logistic3A_84 = arith.addf %logistic3A_83, %logistic3A_81 : vector<1x8192xf32>
    %logistic3A_85 = arith.divf %logistic3A_83, %logistic3A_84 : vector<1x8192xf32>
    %add3A_86 = arith.addf %logistic3A_76, %logistic3A_85 : vector<1x8192xf32>
    %mul3A_87 = arith.constant 5.000000e-01 : f32
    %mul3A_88 = vector.broadcast %mul3A_87 : f32 to vector<1x8192xf32>
    %mul3A_89 = arith.mulf %add3A_86, %mul3A_88 : vector<1x8192xf32>
    %slice3A_90 = vector.extract_strided_slice %max3A_32 {offsets = [0, 0], sizes = [80, 8192], strides = [1, 1]} : vector<200x8192xf32> to vector<80x8192xf32>
    %mul3A_91 = vector.broadcast %mul3A_68 : vector<1x8192xf32> to vector<80x8192xf32>
    %mul3A_92 = arith.mulf %slice3A_90, %mul3A_91 : vector<80x8192xf32>
    %slice3A_93 = vector.extract_strided_slice %max3A_32 {offsets = [80, 0], sizes = [80, 8192], strides = [1, 1]} : vector<200x8192xf32> to vector<80x8192xf32>
    %mul3A_94 = vector.broadcast %mul3A_89 : vector<1x8192xf32> to vector<80x8192xf32>
    %mul3A_95 = arith.mulf %slice3A_93, %mul3A_94 : vector<80x8192xf32>
    %add3A_96 = arith.addf %mul3A_92, %mul3A_95 : vector<80x8192xf32>
    %sub3A_97 = arith.subf %add3A_96, %concatenate3A : vector<80x8192xf32>
    %mul3A_98 = arith.mulf %sub3A_97, %sub3A_97 : vector<80x8192xf32>
    %reduce_sum3A = arith.constant dense<0.000000e+00> : vector<8192xf32>
    %reduce_sum3A_99 = vector.multi_reduction <add>, %mul3A_98, %reduce_sum3A [0] : vector<80x8192xf32> to vector<8192xf32>
    %broadcast_in_dim3A_100 = vector.shape_cast %reduce_sum3A_99 : vector<8192xf32> to vector<1x8192xf32>
    %sqrt3A = math.sqrt %broadcast_in_dim3A_100 : vector<1x8192xf32>
    %sub3A_101 = arith.constant 5.000000e-01 : f32
    %sub3A_102 = vector.broadcast %sub3A_101 : f32 to vector<1x8192xf32>
    %sub3A_103 = arith.subf %sqrt3A, %sub3A_102 : vector<1x8192xf32>
    %logistic3A_104 = arith.negf %sub3A_103 : vector<1x8192xf32>
    %logistic3A_105 = math.exp %logistic3A_104 : vector<1x8192xf32>
    %logistic3A_106 = arith.constant 1.000000e+00 : f32
    %logistic3A_107 = vector.broadcast %logistic3A_106 : f32 to vector<1x8192xf32>
    %logistic3A_108 = arith.addf %logistic3A_107, %logistic3A_105 : vector<1x8192xf32>
    %logistic3A_109 = arith.divf %logistic3A_107, %logistic3A_108 : vector<1x8192xf32>
    %mul3A_110 = arith.constant 4.000000e-01 : f32
    %mul3A_111 = vector.broadcast %mul3A_110 : f32 to vector<1x8192xf32>
    %mul3A_112 = arith.mulf %mul3A_111, %logistic3A_109 : vector<1x8192xf32>
    %mul3A_113 = arith.constant 6.000000e-01 : f32
    %mul3A_114 = vector.broadcast %mul3A_113 : f32 to vector<1x8192xf32>
    %mul3A_115 = arith.mulf %mul3A_114, %logistic3A_48 : vector<1x8192xf32>
    %add3A_116 = arith.addf %mul3A_112, %mul3A_115 : vector<1x8192xf32>
    %jit3A = arith.constant 1.000000e-01 : f32
    %jit3A_117 = arith.constant 0.899999976 : f32
    %max3A_118 = vector.broadcast %jit3A : f32 to vector<1x8192xf32>
    %max3A_119 = arith.maximumf %max3A_118, %add3A_116 : vector<1x8192xf32>
    %min3A = vector.broadcast %jit3A_117 : f32 to vector<1x8192xf32>
    %min3A_120 = arith.minimumf %min3A, %max3A_119 : vector<1x8192xf32>
    %add3A_121 = arith.addf %broadcast_in_dim3A_7, %min3A_120 : vector<1x8192xf32>
    %add3A_122 = arith.addf %mul3A_68, %mul3A_89 : vector<1x8192xf32>
    %add3A_123 = arith.addf %broadcast_in_dim3A_9, %add3A_122 : vector<1x8192xf32>
    %get3A_124 = arith.constant 0 : index
    %get3A_125 = arith.constant 0 : index
    %get3A_126 = vector.load %arg25[%get3A_124, %get3A_125] : memref<212x80xf32, #tpu.memory_space<vmem>>, vector<212x80xf32>
    %dot_general3A_127 = arith.constant dense<0.000000e+00> : vector<212x8192xf32>
    %dot_general3A_128 = tpu.matmul %get3A_126, %add3A_96, %dot_general3A_127 {dimension_numbers = #tpu.dot_dimension_numbers<[1], [0], [0], [1], [0, 0, 1, 1], [], []>, transpose_lhs_hint = false} : vector<212x80xf32>, vector<80x8192xf32>, vector<212x8192xf32> -> vector<212x8192xf32>
    %get3A_129 = arith.constant 0 : index
    %get3A_130 = arith.constant 0 : index
    %get3A_131 = vector.load %arg30[%get3A_129, %get3A_130] : memref<212x1xf32, #tpu.memory_space<vmem>>, vector<212x1xf32>
    %add3A_132 = vector.broadcast %get3A_131 : vector<212x1xf32> to vector<212x8192xf32>
    %add3A_133 = arith.addf %dot_general3A_128, %add3A_132 : vector<212x8192xf32>
    %slice3A_134 = vector.extract_strided_slice %add3A_133 {offsets = [0, 0], sizes = [208, 8192], strides = [1, 1]} : vector<212x8192xf32> to vector<208x8192xf32>
    %max3A_135 = arith.constant 0.000000e+00 : f32
    %max3A_136 = vector.broadcast %max3A_135 : f32 to vector<208x8192xf32>
    %max3A_137 = arith.maximumf %slice3A_134, %max3A_136 : vector<208x8192xf32>
    %get3A_138 = arith.constant 0 : index
    %get3A_139 = arith.constant 0 : index
    %get3A_140 = vector.load %arg26[%get3A_138, %get3A_139] : memref<200x208xf32, #tpu.memory_space<vmem>>, vector<200x208xf32>
    %dot_general3A_141 = arith.constant dense<0.000000e+00> : vector<200x8192xf32>
    %dot_general3A_142 = tpu.matmul %get3A_140, %max3A_137, %dot_general3A_141 {dimension_numbers = #tpu.dot_dimension_numbers<[1], [0], [0], [1], [0, 0, 1, 1], [], []>, transpose_lhs_hint = false} : vector<200x208xf32>, vector<208x8192xf32>, vector<200x8192xf32> -> vector<200x8192xf32>
    %get3A_143 = arith.constant 0 : index
    %get3A_144 = arith.constant 0 : index
    %get3A_145 = vector.load %arg31[%get3A_143, %get3A_144] : memref<200x1xf32, #tpu.memory_space<vmem>>, vector<200x1xf32>
    %add3A_146 = vector.broadcast %get3A_145 : vector<200x1xf32> to vector<200x8192xf32>
    %add3A_147 = arith.addf %dot_general3A_142, %add3A_146 : vector<200x8192xf32>
    %max3A_148 = arith.constant 0.000000e+00 : f32
    %max3A_149 = vector.broadcast %max3A_148 : f32 to vector<200x8192xf32>
    %max3A_150 = arith.maximumf %add3A_147, %max3A_149 : vector<200x8192xf32>
    %get3A_151 = arith.constant 0 : index
    %get3A_152 = arith.constant 0 : index
    %get3A_153 = vector.load %arg10[%get3A_151, %get3A_152] : memref<1x40xf32, #tpu.memory_space<vmem>>, vector<1x40xf32>
    %slice3A_154 = vector.extract_strided_slice %max3A_150 {offsets = [160, 0], sizes = [40, 8192], strides = [1, 1]} : vector<200x8192xf32> to vector<40x8192xf32>
    %dot_general3A_155 = arith.constant dense<0.000000e+00> : vector<1x8192xf32>
    %dot_general3A_156 = tpu.matmul %get3A_153, %slice3A_154, %dot_general3A_155 {dimension_numbers = #tpu.dot_dimension_numbers<[1], [0], [0], [1], [0, 0, 1, 1], [], []>, transpose_lhs_hint = false} : vector<1x40xf32>, vector<40x8192xf32>, vector<1x8192xf32> -> vector<1x8192xf32>
    %get3A_157 = arith.constant 0 : index
    %get3A_158 = arith.constant 0 : index
    %get3A_159 = vector.load %arg32[%get3A_157, %get3A_158] : memref<1x1xf32, #tpu.memory_space<vmem>>, vector<1x1xf32>
    %add3A_160 = vector.broadcast %get3A_159 : vector<1x1xf32> to vector<1x8192xf32>
    %add3A_161 = arith.addf %dot_general3A_156, %add3A_160 : vector<1x8192xf32>
    %logistic3A_162 = arith.negf %add3A_161 : vector<1x8192xf32>
    %logistic3A_163 = math.exp %logistic3A_162 : vector<1x8192xf32>
    %logistic3A_164 = arith.constant 1.000000e+00 : f32
    %logistic3A_165 = vector.broadcast %logistic3A_164 : f32 to vector<1x8192xf32>
    %logistic3A_166 = arith.addf %logistic3A_165, %logistic3A_163 : vector<1x8192xf32>
    %logistic3A_167 = arith.divf %logistic3A_165, %logistic3A_166 : vector<1x8192xf32>
    %slice3A_168 = vector.extract_strided_slice %add3A_133 {offsets = [208, 0], sizes = [1, 8192], strides = [1, 1]} : vector<212x8192xf32> to vector<1x8192xf32>
    %slice3A_169 = vector.extract_strided_slice %add3A_133 {offsets = [209, 0], sizes = [1, 8192], strides = [1, 1]} : vector<212x8192xf32> to vector<1x8192xf32>
    %sub3A_170 = arith.subf %slice3A_168, %slice3A_169 : vector<1x8192xf32>
    %slice3A_171 = vector.extract_strided_slice %add3A_133 {offsets = [210, 0], sizes = [1, 8192], strides = [1, 1]} : vector<212x8192xf32> to vector<1x8192xf32>
    %slice3A_172 = vector.extract_strided_slice %add3A_133 {offsets = [211, 0], sizes = [1, 8192], strides = [1, 1]} : vector<212x8192xf32> to vector<1x8192xf32>
    %sub3A_173 = arith.subf %slice3A_171, %slice3A_172 : vector<1x8192xf32>
    %logistic3A_174 = arith.negf %sub3A_170 : vector<1x8192xf32>
    %logistic3A_175 = math.exp %logistic3A_174 : vector<1x8192xf32>
    %logistic3A_176 = arith.constant 1.000000e+00 : f32
    %logistic3A_177 = vector.broadcast %logistic3A_176 : f32 to vector<1x8192xf32>
    %logistic3A_178 = arith.addf %logistic3A_177, %logistic3A_175 : vector<1x8192xf32>
    %logistic3A_179 = arith.divf %logistic3A_177, %logistic3A_178 : vector<1x8192xf32>
    %logistic3A_180 = arith.negf %sub3A_173 : vector<1x8192xf32>
    %logistic3A_181 = math.exp %logistic3A_180 : vector<1x8192xf32>
    %logistic3A_182 = arith.constant 1.000000e+00 : f32
    %logistic3A_183 = vector.broadcast %logistic3A_182 : f32 to vector<1x8192xf32>
    %logistic3A_184 = arith.addf %logistic3A_183, %logistic3A_181 : vector<1x8192xf32>
    %logistic3A_185 = arith.divf %logistic3A_183, %logistic3A_184 : vector<1x8192xf32>
    %add3A_186 = arith.addf %logistic3A_179, %logistic3A_185 : vector<1x8192xf32>
    %mul3A_187 = arith.constant 5.000000e-01 : f32
    %mul3A_188 = vector.broadcast %mul3A_187 : f32 to vector<1x8192xf32>
    %mul3A_189 = arith.mulf %add3A_186, %mul3A_188 : vector<1x8192xf32>
    %neg3A_190 = arith.constant 0.000000e+00 : f32
    %neg3A_191 = vector.broadcast %neg3A_190 : f32 to vector<1x8192xf32>
    %neg3A_192 = arith.subf %neg3A_191, %sub3A_170 : vector<1x8192xf32>
    %logistic3A_193 = arith.negf %neg3A_192 : vector<1x8192xf32>
    %logistic3A_194 = math.exp %logistic3A_193 : vector<1x8192xf32>
    %logistic3A_195 = arith.constant 1.000000e+00 : f32
    %logistic3A_196 = vector.broadcast %logistic3A_195 : f32 to vector<1x8192xf32>
    %logistic3A_197 = arith.addf %logistic3A_196, %logistic3A_194 : vector<1x8192xf32>
    %logistic3A_198 = arith.divf %logistic3A_196, %logistic3A_197 : vector<1x8192xf32>
    %neg3A_199 = arith.constant 0.000000e+00 : f32
    %neg3A_200 = vector.broadcast %neg3A_199 : f32 to vector<1x8192xf32>
    %neg3A_201 = arith.subf %neg3A_200, %sub3A_173 : vector<1x8192xf32>
    %logistic3A_202 = arith.negf %neg3A_201 : vector<1x8192xf32>
    %logistic3A_203 = math.exp %logistic3A_202 : vector<1x8192xf32>
    %logistic3A_204 = arith.constant 1.000000e+00 : f32
    %logistic3A_205 = vector.broadcast %logistic3A_204 : f32 to vector<1x8192xf32>
    %logistic3A_206 = arith.addf %logistic3A_205, %logistic3A_203 : vector<1x8192xf32>
    %logistic3A_207 = arith.divf %logistic3A_205, %logistic3A_206 : vector<1x8192xf32>
    %add3A_208 = arith.addf %logistic3A_198, %logistic3A_207 : vector<1x8192xf32>
    %mul3A_209 = arith.constant 5.000000e-01 : f32
    %mul3A_210 = vector.broadcast %mul3A_209 : f32 to vector<1x8192xf32>
    %mul3A_211 = arith.mulf %add3A_208, %mul3A_210 : vector<1x8192xf32>
    %slice3A_212 = vector.extract_strided_slice %max3A_150 {offsets = [0, 0], sizes = [80, 8192], strides = [1, 1]} : vector<200x8192xf32> to vector<80x8192xf32>
    %mul3A_213 = vector.broadcast %mul3A_189 : vector<1x8192xf32> to vector<80x8192xf32>
    %mul3A_214 = arith.mulf %slice3A_212, %mul3A_213 : vector<80x8192xf32>
    %slice3A_215 = vector.extract_strided_slice %max3A_150 {offsets = [80, 0], sizes = [80, 8192], strides = [1, 1]} : vector<200x8192xf32> to vector<80x8192xf32>
    %mul3A_216 = vector.broadcast %mul3A_211 : vector<1x8192xf32> to vector<80x8192xf32>
    %mul3A_217 = arith.mulf %slice3A_215, %mul3A_216 : vector<80x8192xf32>
    %add3A_218 = arith.addf %mul3A_214, %mul3A_217 : vector<80x8192xf32>
    %sub3A_219 = arith.subf %add3A_218, %add3A_96 : vector<80x8192xf32>
    %mul3A_220 = arith.mulf %sub3A_219, %sub3A_219 : vector<80x8192xf32>
    %reduce_sum3A_221 = arith.constant dense<0.000000e+00> : vector<8192xf32>
    %reduce_sum3A_222 = vector.multi_reduction <add>, %mul3A_220, %reduce_sum3A_221 [0] : vector<80x8192xf32> to vector<8192xf32>
    %broadcast_in_dim3A_223 = vector.shape_cast %reduce_sum3A_222 : vector<8192xf32> to vector<1x8192xf32>
    %sqrt3A_224 = math.sqrt %broadcast_in_dim3A_223 : vector<1x8192xf32>
    %sub3A_225 = arith.constant 5.000000e-01 : f32
    %sub3A_226 = vector.broadcast %sub3A_225 : f32 to vector<1x8192xf32>
    %sub3A_227 = arith.subf %sqrt3A_224, %sub3A_226 : vector<1x8192xf32>
    %logistic3A_228 = arith.negf %sub3A_227 : vector<1x8192xf32>
    %logistic3A_229 = math.exp %logistic3A_228 : vector<1x8192xf32>
    %logistic3A_230 = arith.constant 1.000000e+00 : f32
    %logistic3A_231 = vector.broadcast %logistic3A_230 : f32 to vector<1x8192xf32>
    %logistic3A_232 = arith.addf %logistic3A_231, %logistic3A_229 : vector<1x8192xf32>
    %logistic3A_233 = arith.divf %logistic3A_231, %logistic3A_232 : vector<1x8192xf32>
    %mul3A_234 = arith.constant 4.000000e-01 : f32
    %mul3A_235 = vector.broadcast %mul3A_234 : f32 to vector<1x8192xf32>
    %mul3A_236 = arith.mulf %mul3A_235, %logistic3A_233 : vector<1x8192xf32>
    %mul3A_237 = arith.constant 6.000000e-01 : f32
    %mul3A_238 = vector.broadcast %mul3A_237 : f32 to vector<1x8192xf32>
    %mul3A_239 = arith.mulf %mul3A_238, %logistic3A_167 : vector<1x8192xf32>
    %add3A_240 = arith.addf %mul3A_236, %mul3A_239 : vector<1x8192xf32>
    %jit3A_241 = arith.constant 1.000000e-01 : f32
    %jit3A_242 = arith.constant 0.899999976 : f32
    %max3A_243 = vector.broadcast %jit3A_241 : f32 to vector<1x8192xf32>
    %max3A_244 = arith.maximumf %max3A_243, %add3A_240 : vector<1x8192xf32>
    %min3A_245 = vector.broadcast %jit3A_242 : f32 to vector<1x8192xf32>
    %min3A_246 = arith.minimumf %min3A_245, %max3A_244 : vector<1x8192xf32>
    %add3A_247 = arith.addf %add3A_121, %min3A_246 : vector<1x8192xf32>
    %add3A_248 = arith.addf %mul3A_189, %mul3A_211 : vector<1x8192xf32>
    %add3A_249 = arith.addf %add3A_123, %add3A_248 : vector<1x8192xf32>
    %mul3A_250 = arith.constant 2.500000e-01 : f32
    %mul3A_251 = vector.broadcast %mul3A_250 : f32 to vector<1x8192xf32>
    %mul3A_252 = arith.mulf %add3A_249, %mul3A_251 : vector<1x8192xf32>
    %get3A_253 = arith.constant 0 : index
    %get3A_254 = arith.constant 0 : index
    %get3A_255 = vector.load %arg11[%get3A_253, %get3A_254] : memref<128x160xf32, #tpu.memory_space<vmem>>, vector<128x160xf32>
    %mul3A_256 = vector.broadcast %mul3A_252 : vector<1x8192xf32> to vector<80x8192xf32>
    %mul3A_257 = arith.mulf %mul3A_256, %add3A_218 : vector<80x8192xf32>
    %concatenate3A_258 = tpu.concatenate %add3A_218, %mul3A_257 in 0 : vector<80x8192xf32>, vector<80x8192xf32> -> vector<160x8192xf32>
    %dot_general3A_259 = arith.constant dense<0.000000e+00> : vector<128x8192xf32>
    %dot_general3A_260 = tpu.matmul %get3A_255, %concatenate3A_258, %dot_general3A_259 {dimension_numbers = #tpu.dot_dimension_numbers<[1], [0], [0], [1], [0, 0, 1, 1], [], []>, transpose_lhs_hint = false} : vector<128x160xf32>, vector<160x8192xf32>, vector<128x8192xf32> -> vector<128x8192xf32>
    %get3A_261 = arith.constant 0 : index
    %get3A_262 = arith.constant 0 : index
    %get3A_263 = vector.load %arg33[%get3A_261, %get3A_262] : memref<128x1xf32, #tpu.memory_space<vmem>>, vector<128x1xf32>
    %add3A_264 = vector.broadcast %get3A_263 : vector<128x1xf32> to vector<128x8192xf32>
    %add3A_265 = arith.addf %dot_general3A_260, %add3A_264 : vector<128x8192xf32>
    %max3A_266 = arith.constant 0.000000e+00 : f32
    %max3A_267 = vector.broadcast %max3A_266 : f32 to vector<128x8192xf32>
    %max3A_268 = arith.maximumf %add3A_265, %max3A_267 : vector<128x8192xf32>
    %get3A_269 = arith.constant 0 : index
    %get3A_270 = arith.constant 0 : index
    %get3A_271 = vector.load %arg12[%get3A_269, %get3A_270] : memref<128x128xf32, #tpu.memory_space<vmem>>, vector<128x128xf32>
    %dot_general3A_272 = arith.constant dense<0.000000e+00> : vector<128x8192xf32>
    %dot_general3A_273 = tpu.matmul %get3A_271, %max3A_268, %dot_general3A_272 {dimension_numbers = #tpu.dot_dimension_numbers<[1], [0], [0], [1], [0, 0, 1, 1], [], []>, transpose_lhs_hint = false} : vector<128x128xf32>, vector<128x8192xf32>, vector<128x8192xf32> -> vector<128x8192xf32>
    %get3A_274 = arith.constant 0 : index
    %get3A_275 = arith.constant 0 : index
    %get3A_276 = vector.load %arg34[%get3A_274, %get3A_275] : memref<128x1xf32, #tpu.memory_space<vmem>>, vector<128x1xf32>
    %add3A_277 = vector.broadcast %get3A_276 : vector<128x1xf32> to vector<128x8192xf32>
    %add3A_278 = arith.addf %dot_general3A_273, %add3A_277 : vector<128x8192xf32>
    %max3A_279 = arith.constant 0.000000e+00 : f32
    %max3A_280 = vector.broadcast %max3A_279 : f32 to vector<128x8192xf32>
    %max3A_281 = arith.maximumf %add3A_278, %max3A_280 : vector<128x8192xf32>
    %get3A_282 = arith.constant 0 : index
    %get3A_283 = arith.constant 0 : index
    %get3A_284 = vector.load %arg13[%get3A_282, %get3A_283] : memref<64x128xf32, #tpu.memory_space<vmem>>, vector<64x128xf32>
    %dot_general3A_285 = arith.constant dense<0.000000e+00> : vector<64x8192xf32>
    %dot_general3A_286 = tpu.matmul %get3A_284, %max3A_281, %dot_general3A_285 {dimension_numbers = #tpu.dot_dimension_numbers<[1], [0], [0], [1], [0, 0, 1, 1], [], []>, transpose_lhs_hint = false} : vector<64x128xf32>, vector<128x8192xf32>, vector<64x8192xf32> -> vector<64x8192xf32>
    %get3A_287 = arith.constant 0 : index
    %get3A_288 = arith.constant 0 : index
    %get3A_289 = vector.load %arg35[%get3A_287, %get3A_288] : memref<64x1xf32, #tpu.memory_space<vmem>>, vector<64x1xf32>
    %add3A_290 = vector.broadcast %get3A_289 : vector<64x1xf32> to vector<64x8192xf32>
    %add3A_291 = arith.addf %dot_general3A_286, %add3A_290 : vector<64x8192xf32>
    %get3A_292 = arith.constant 0 : index
    %get3A_293 = arith.constant 0 : index
    %get3A_294 = vector.load %arg27[%get3A_292, %get3A_293] : memref<256x144xf32, #tpu.memory_space<vmem>>, vector<256x144xf32>
    %concatenate3A_295 = tpu.concatenate %add3A_218, %add3A_291 in 0 : vector<80x8192xf32>, vector<64x8192xf32> -> vector<144x8192xf32>
    %dot_general3A_296 = arith.constant dense<0.000000e+00> : vector<256x8192xf32>
    %dot_general3A_297 = tpu.matmul %get3A_294, %concatenate3A_295, %dot_general3A_296 {dimension_numbers = #tpu.dot_dimension_numbers<[1], [0], [0], [1], [0, 0, 1, 1], [], []>, transpose_lhs_hint = false} : vector<256x144xf32>, vector<144x8192xf32>, vector<256x8192xf32> -> vector<256x8192xf32>
    %get3A_298 = arith.constant 0 : index
    %get3A_299 = arith.constant 0 : index
    %get3A_300 = vector.load %arg36[%get3A_298, %get3A_299] : memref<256x1xf32, #tpu.memory_space<vmem>>, vector<256x1xf32>
    %add3A_301 = vector.broadcast %get3A_300 : vector<256x1xf32> to vector<256x8192xf32>
    %add3A_302 = arith.addf %dot_general3A_297, %add3A_301 : vector<256x8192xf32>
    %max3A_303 = arith.constant 0.000000e+00 : f32
    %max3A_304 = vector.broadcast %max3A_303 : f32 to vector<256x8192xf32>
    %max3A_305 = arith.maximumf %add3A_302, %max3A_304 : vector<256x8192xf32>
    %get3A_306 = arith.constant 0 : index
    %get3A_307 = arith.constant 0 : index
    %get3A_308 = vector.load %arg28[%get3A_306, %get3A_307] : memref<192x256xf32, #tpu.memory_space<vmem>>, vector<192x256xf32>
    %dot_general3A_309 = arith.constant dense<0.000000e+00> : vector<192x8192xf32>
    %dot_general3A_310 = tpu.matmul %get3A_308, %max3A_305, %dot_general3A_309 {dimension_numbers = #tpu.dot_dimension_numbers<[1], [0], [0], [1], [0, 0, 1, 1], [], []>, transpose_lhs_hint = false} : vector<192x256xf32>, vector<256x8192xf32>, vector<192x8192xf32> -> vector<192x8192xf32>
    %get3A_311 = arith.constant 0 : index
    %get3A_312 = arith.constant 0 : index
    %get3A_313 = vector.load %arg37[%get3A_311, %get3A_312] : memref<192x1xf32, #tpu.memory_space<vmem>>, vector<192x1xf32>
    %add3A_314 = vector.broadcast %get3A_313 : vector<192x1xf32> to vector<192x8192xf32>
    %add3A_315 = arith.addf %dot_general3A_310, %add3A_314 : vector<192x8192xf32>
    %max3A_316 = arith.constant 0.000000e+00 : f32
    %max3A_317 = vector.broadcast %max3A_316 : f32 to vector<192x8192xf32>
    %max3A_318 = arith.maximumf %add3A_315, %max3A_317 : vector<192x8192xf32>
    %get3A_319 = arith.constant 0 : index
    %get3A_320 = arith.constant 0 : index
    %get3A_321 = vector.load %arg29[%get3A_319, %get3A_320] : memref<81x192xf32, #tpu.memory_space<vmem>>, vector<81x192xf32>
    %dot_general3A_322 = arith.constant dense<0.000000e+00> : vector<81x8192xf32>
    %dot_general3A_323 = tpu.matmul %get3A_321, %max3A_318, %dot_general3A_322 {dimension_numbers = #tpu.dot_dimension_numbers<[1], [0], [0], [1], [0, 0, 1, 1], [], []>, transpose_lhs_hint = false} : vector<81x192xf32>, vector<192x8192xf32>, vector<81x8192xf32> -> vector<81x8192xf32>
    %get3A_324 = arith.constant 0 : index
    %get3A_325 = arith.constant 0 : index
    %get3A_326 = vector.load %arg38[%get3A_324, %get3A_325] : memref<81x1xf32, #tpu.memory_space<vmem>>, vector<81x1xf32>
    %add3A_327 = vector.broadcast %get3A_326 : vector<81x1xf32> to vector<81x8192xf32>
    %add3A_328 = arith.addf %dot_general3A_323, %add3A_327 : vector<81x8192xf32>
    %slice3A_329 = vector.extract_strided_slice %add3A_328 {offsets = [80, 0], sizes = [1, 8192], strides = [1, 1]} : vector<81x8192xf32> to vector<1x8192xf32>
    %logistic3A_330 = arith.negf %slice3A_329 : vector<1x8192xf32>
    %logistic3A_331 = math.exp %logistic3A_330 : vector<1x8192xf32>
    %logistic3A_332 = arith.constant 1.000000e+00 : f32
    %logistic3A_333 = vector.broadcast %logistic3A_332 : f32 to vector<1x8192xf32>
    %logistic3A_334 = arith.addf %logistic3A_333, %logistic3A_331 : vector<1x8192xf32>
    %logistic3A_335 = arith.divf %logistic3A_333, %logistic3A_334 : vector<1x8192xf32>
    %slice3A_336 = vector.extract_strided_slice %add3A_328 {offsets = [0, 0], sizes = [80, 8192], strides = [1, 1]} : vector<81x8192xf32> to vector<80x8192xf32>
    %mul3A_337 = vector.broadcast %logistic3A_335 : vector<1x8192xf32> to vector<80x8192xf32>
    %mul3A_338 = arith.mulf %mul3A_337, %slice3A_336 : vector<80x8192xf32>
    %add3A_339 = arith.addf %add3A_218, %mul3A_338 : vector<80x8192xf32>
    %get3A_340 = arith.constant 0 : index
    %get3A_341 = arith.constant 0 : index
    %get3A_342 = vector.load %arg20[%get3A_340, %get3A_341] : memref<128x160xf32, #tpu.memory_space<vmem>>, vector<128x160xf32>
    %concatenate3A_343 = tpu.concatenate %add3A_218, %add3A_339 in 0 : vector<80x8192xf32>, vector<80x8192xf32> -> vector<160x8192xf32>
    %dot_general3A_344 = arith.constant dense<0.000000e+00> : vector<128x8192xf32>
    %dot_general3A_345 = tpu.matmul %get3A_342, %concatenate3A_343, %dot_general3A_344 {dimension_numbers = #tpu.dot_dimension_numbers<[1], [0], [0], [1], [0, 0, 1, 1], [], []>, transpose_lhs_hint = false} : vector<128x160xf32>, vector<160x8192xf32>, vector<128x8192xf32> -> vector<128x8192xf32>
    %get3A_346 = arith.constant 0 : index
    %get3A_347 = arith.constant 0 : index
    %get3A_348 = vector.load %arg39[%get3A_346, %get3A_347] : memref<128x1xf32, #tpu.memory_space<vmem>>, vector<128x1xf32>
    %add3A_349 = vector.broadcast %get3A_348 : vector<128x1xf32> to vector<128x8192xf32>
    %add3A_350 = arith.addf %dot_general3A_345, %add3A_349 : vector<128x8192xf32>
    %max3A_351 = arith.constant 0.000000e+00 : f32
    %max3A_352 = vector.broadcast %max3A_351 : f32 to vector<128x8192xf32>
    %max3A_353 = arith.maximumf %add3A_350, %max3A_352 : vector<128x8192xf32>
    %get3A_354 = arith.constant 0 : index
    %get3A_355 = arith.constant 0 : index
    %get3A_356 = vector.load %arg21[%get3A_354, %get3A_355] : memref<128x128xf32, #tpu.memory_space<vmem>>, vector<128x128xf32>
    %dot_general3A_357 = arith.constant dense<0.000000e+00> : vector<128x8192xf32>
    %dot_general3A_358 = tpu.matmul %get3A_356, %max3A_353, %dot_general3A_357 {dimension_numbers = #tpu.dot_dimension_numbers<[1], [0], [0], [1], [0, 0, 1, 1], [], []>, transpose_lhs_hint = false} : vector<128x128xf32>, vector<128x8192xf32>, vector<128x8192xf32> -> vector<128x8192xf32>
    %get3A_359 = arith.constant 0 : index
    %get3A_360 = arith.constant 0 : index
    %get3A_361 = vector.load %arg40[%get3A_359, %get3A_360] : memref<128x1xf32, #tpu.memory_space<vmem>>, vector<128x1xf32>
    %add3A_362 = vector.broadcast %get3A_361 : vector<128x1xf32> to vector<128x8192xf32>
    %add3A_363 = arith.addf %dot_general3A_358, %add3A_362 : vector<128x8192xf32>
    %max3A_364 = arith.constant 0.000000e+00 : f32
    %max3A_365 = vector.broadcast %max3A_364 : f32 to vector<128x8192xf32>
    %max3A_366 = arith.maximumf %add3A_363, %max3A_365 : vector<128x8192xf32>
    %mul3A_367 = arith.constant 0.699999988 : f32
    %mul3A_368 = vector.broadcast %mul3A_367 : f32 to vector<80x8192xf32>
    %mul3A_369 = arith.mulf %mul3A_368, %add3A_218 : vector<80x8192xf32>
    %get3A_370 = arith.constant 0 : index
    %get3A_371 = arith.constant 0 : index
    %get3A_372 = vector.load %arg22[%get3A_370, %get3A_371] : memref<80x128xf32, #tpu.memory_space<vmem>>, vector<80x128xf32>
    %dot_general3A_373 = arith.constant dense<0.000000e+00> : vector<80x8192xf32>
    %dot_general3A_374 = tpu.matmul %get3A_372, %max3A_366, %dot_general3A_373 {dimension_numbers = #tpu.dot_dimension_numbers<[1], [0], [0], [1], [0, 0, 1, 1], [], []>, transpose_lhs_hint = false} : vector<80x128xf32>, vector<128x8192xf32>, vector<80x8192xf32> -> vector<80x8192xf32>
    %get3A_375 = arith.constant 0 : index
    %get3A_376 = arith.constant 0 : index
    %get3A_377 = vector.load %arg41[%get3A_375, %get3A_376] : memref<80x1xf32, #tpu.memory_space<vmem>>, vector<80x1xf32>
    %add3A_378 = vector.broadcast %get3A_377 : vector<80x1xf32> to vector<80x8192xf32>
    %add3A_379 = arith.addf %dot_general3A_374, %add3A_378 : vector<80x8192xf32>
    %mul3A_380 = arith.constant 3.000000e-01 : f32
    %mul3A_381 = vector.broadcast %mul3A_380 : f32 to vector<80x8192xf32>
    %mul3A_382 = arith.mulf %mul3A_381, %add3A_379 : vector<80x8192xf32>
    %add3A_383 = arith.addf %mul3A_369, %mul3A_382 : vector<80x8192xf32>
    %swap3A = arith.constant 0 : index
    %swap3A_384 = arith.constant 0 : index
    %swap3A_385 = vector.load %arg23[%swap3A, %swap3A_384] : memref<80x8192xf32, #tpu.memory_space<vmem>>, vector<80x8192xf32>
    tpu.vector_store %arg23[%swap3A, %swap3A_384], %add3A_383 {strides = array<i32>} : memref<80x8192xf32, #tpu.memory_space<vmem>>, vector<80x8192xf32>,
    %mul3A_386 = arith.constant 5.000000e-01 : f32
    %mul3A_387 = vector.broadcast %mul3A_386 : f32 to vector<1x8192xf32>
    %mul3A_388 = arith.mulf %add3A_247, %mul3A_387 : vector<1x8192xf32>
    %swap3A_389 = arith.constant 0 : index
    %swap3A_390 = arith.constant 0 : index
    %swap3A_391 = vector.load %arg24[%swap3A_389, %swap3A_390] : memref<1x8192xf32, #tpu.memory_space<vmem>>, vector<1x8192xf32>
    tpu.vector_store %arg24[%swap3A_389, %swap3A_390], %mul3A_388 {strides = array<i32>} : memref<1x8192xf32, #tpu.memory_space<vmem>>, vector<1x8192xf32>,
    return
  }
  func.func @transform_0(%arg0: i32) -> (i32, i32) {
    %c0_i32 = arith.constant 0 : i32
    %c0_i32_0 = arith.constant 0 : i32
    return %c0_i32, %arg0 : i32, i32
  }
  func.func @transform_1(%arg0: i32) -> (i32, i32) {
    %c0_i32 = arith.constant 0 : i32
    %c0_i32_0 = arith.constant 0 : i32
    return %arg0, %c0_i32 : i32, i32
  }
  func.func @transform_2(%arg0: i32) -> (i32, i32) {
    %c0_i32 = arith.constant 0 : i32
    %c0_i32_0 = arith.constant 0 : i32
    %c0_i32_1 = arith.constant 0 : i32
    return %c0_i32, %c0_i32_0 : i32, i32
  }
  func.func @transform_3(%arg0: i32) -> (i32, i32, i32) {
    %c0_i32 = arith.constant 0 : i32
    %c0_i32_0 = arith.constant 0 : i32
    %c0_i32_1 = arith.constant 0 : i32
    %c0_i32_2 = arith.constant 0 : i32
    return %c0_i32, %c0_i32_0, %c0_i32_1 : i32, i32, i32
  }
  func.func @transform_4(%arg0: i32) -> (i32, i32) {
    %c0_i32 = arith.constant 0 : i32
    %c0_i32_0 = arith.constant 0 : i32
    %c0_i32_1 = arith.constant 0 : i32
    return %c0_i32, %c0_i32_0 : i32, i32
  }
  func.func @transform_5(%arg0: i32) -> (i32, i32) {
    %c0_i32 = arith.constant 0 : i32
    %c0_i32_0 = arith.constant 0 : i32
    %c0_i32_1 = arith.constant 0 : i32
    return %c0_i32, %c0_i32_0 : i32, i32
  }
  func.func @transform_6(%arg0: i32) -> (i32, i32) {
    %c0_i32 = arith.constant 0 : i32
    %c0_i32_0 = arith.constant 0 : i32
    %c0_i32_1 = arith.constant 0 : i32
    return %c0_i32, %c0_i32_0 : i32, i32
  }
  func.func @transform_7(%arg0: i32) -> (i32, i32, i32) {
    %c0_i32 = arith.constant 0 : i32
    %c0_i32_0 = arith.constant 0 : i32
    %c0_i32_1 = arith.constant 0 : i32
    %c0_i32_2 = arith.constant 0 : i32
    return %c0_i32, %c0_i32_0, %c0_i32_1 : i32, i32, i32
  }
  func.func @transform_8(%arg0: i32) -> (i32, i32) {
    %c0_i32 = arith.constant 0 : i32
    %c0_i32_0 = arith.constant 0 : i32
    %c0_i32_1 = arith.constant 0 : i32
    return %c0_i32, %c0_i32_0 : i32, i32
  }
  func.func @transform_9(%arg0: i32) -> (i32, i32) {
    %c0_i32 = arith.constant 0 : i32
    %c0_i32_0 = arith.constant 0 : i32
    %c0_i32_1 = arith.constant 0 : i32
    return %c0_i32, %c0_i32_0 : i32, i32
  }
  func.func @transform_10(%arg0: i32) -> (i32, i32) {
    %c0_i32 = arith.constant 0 : i32
    %c0_i32_0 = arith.constant 0 : i32
    %c0_i32_1 = arith.constant 0 : i32
    return %c0_i32, %c0_i32_0 : i32, i32
  }
  func.func @transform_11(%arg0: i32) -> (i32, i32) {
    %c0_i32 = arith.constant 0 : i32
    %c0_i32_0 = arith.constant 0 : i32
    %c0_i32_1 = arith.constant 0 : i32
    return %c0_i32, %c0_i32_0 : i32, i32
  }
  func.func @transform_12(%arg0: i32) -> (i32, i32) {
    %c0_i32 = arith.constant 0 : i32
    %c0_i32_0 = arith.constant 0 : i32
    %c0_i32_1 = arith.constant 0 : i32
    return %c0_i32, %c0_i32_0 : i32, i32
  }
  func.func @transform_13(%arg0: i32) -> (i32, i32) {
    %c0_i32 = arith.constant 0 : i32
    %c0_i32_0 = arith.constant 0 : i32
    %c0_i32_1 = arith.constant 0 : i32
    return %c0_i32, %c0_i32_0 : i32, i32
  }
  func.func @transform_14(%arg0: i32) -> (i32, i32) {
    %c0_i32 = arith.constant 0 : i32
    %c0_i32_0 = arith.constant 0 : i32
    %c0_i32_1 = arith.constant 0 : i32
    return %c0_i32, %c0_i32_0 : i32, i32
  }
  func.func @transform_15(%arg0: i32) -> (i32, i32) {
    %c0_i32 = arith.constant 0 : i32
    %c0_i32_0 = arith.constant 0 : i32
    %c0_i32_1 = arith.constant 0 : i32
    return %c0_i32, %c0_i32_0 : i32, i32
  }
  func.func @transform_16(%arg0: i32) -> (i32, i32) {
    %c0_i32 = arith.constant 0 : i32
    %c0_i32_0 = arith.constant 0 : i32
    %c0_i32_1 = arith.constant 0 : i32
    return %c0_i32, %c0_i32_0 : i32, i32
  }
  func.func @transform_17(%arg0: i32) -> (i32, i32) {
    %c0_i32 = arith.constant 0 : i32
    %c0_i32_0 = arith.constant 0 : i32
    %c0_i32_1 = arith.constant 0 : i32
    return %c0_i32, %c0_i32_0 : i32, i32
  }
  func.func @transform_18(%arg0: i32) -> (i32, i32) {
    %c0_i32 = arith.constant 0 : i32
    %c0_i32_0 = arith.constant 0 : i32
    %c0_i32_1 = arith.constant 0 : i32
    return %c0_i32, %c0_i32_0 : i32, i32
  }
  func.func @transform_19(%arg0: i32) -> (i32, i32) {
    %c0_i32 = arith.constant 0 : i32
    %c0_i32_0 = arith.constant 0 : i32
    %c0_i32_1 = arith.constant 0 : i32
    return %c0_i32, %c0_i32_0 : i32, i32
  }
  func.func @transform_20(%arg0: i32) -> (i32, i32) {
    %c0_i32 = arith.constant 0 : i32
    %c0_i32_0 = arith.constant 0 : i32
    %c0_i32_1 = arith.constant 0 : i32
    return %c0_i32, %c0_i32_0 : i32, i32
  }
  func.func @transform_21(%arg0: i32) -> (i32, i32) {
    %c0_i32 = arith.constant 0 : i32
    %c0_i32_0 = arith.constant 0 : i32
    %c0_i32_1 = arith.constant 0 : i32
    return %c0_i32, %c0_i32_0 : i32, i32
  }
  func.func @transform_22(%arg0: i32) -> (i32, i32) {
    %c0_i32 = arith.constant 0 : i32
    %c0_i32_0 = arith.constant 0 : i32
    return %c0_i32, %arg0 : i32, i32
  }
  func.func @transform_23(%arg0: i32) -> (i32, i32) {
    %c0_i32 = arith.constant 0 : i32
    %c0_i32_0 = arith.constant 0 : i32
    return %c0_i32, %arg0 : i32, i32
  }
}

</mosaic_0001>

<sc_bundles>
// kernel: kernel.4.cloned.1.call-start
scs
__scs_entry_jumppad:
0x0: {  	(pc) =	sbr.rel $0x88, $3  }
0x1: {  	(tag) =	ssettag $0x0;
	lr =	simm.s32 $0x1  }
0x2: {  	[smem:$0x3F78] =	sst lr;
	_ =	strace $0xD0000000  }
0x3: {  	_ = 	snop  }
0x4: {  	_ = 	snop  }
0x5: {  	_ = 	snop  }
0x6: {  	_ = 	snop  }
0x7: {  	_ = 	snop  }
__scs_overlays_trampoline_lowered:
0x8: {  	[smem:$0x3F87] =	sst s0  }
0x9: {  	[smem:$0x3F88] =	sst s1  }
0xa: {  	[smem:$0x3F89] =	sst s2  }
0xb: {  	[smem:$0x3F8A] =	sst s3  }
0xc: {  	[smem:$0x3F8B] =	sst s4  }
0xd: {  	[smem:$0x3F8C] =	sst s5  }
0xe: {  	[smem:$0x3F8D] =	sst s6  }
0xf: {  	[smem:$0x3F8E] =	sst s7  }
0x10: {  	[smem:$0x3F8F] =	sst s8  }
0x11: {  	[smem:$0x3F90] =	sst s9;
	s0 =	simm.s32 @!p0 $0x0  }
0x12: {  	s1 =	sld [smem:$0x3F76];
	s0 =	simm.s32 @p0 $0x1  }
0x13: {  	[smem:$0x3F91] =	sst s0;
	s0 =	simm.s32 @!p1 $0x0  }
0x14: {  	s2 =	sld [smem:$0x3F75];
	s0 =	simm.s32 @p1 $0x1  }
0x15: {  	[smem:$0x3F92] =	sst s0;
	s0 =	simm.s32 @!p2 $0x0  }
0x16: {  	s3 =	sld [smem:$0x3FDB];
	s0 =	simm.s32 @p2 $0x1  }
0x17: {  	s4 =	simm.s32 $0x1BF5;
	[smem:$0x3F94] =	sst s0  }
0x18: {  	s0 =	sld [smem:$0x3F77];
	_ =	swait.ge [sflag:s4], $0x0  }
0x19: {  	s7 =	sld [smem:$0x3F78]  }
0x1a: {  	s8 =	sadd.s32 $0xFFFFE003, lr  }
0x1b: {  	s9 =	sadd.s32 $0xFFFFFEF7, lr;
	s5 =	simm.s32 $0xFFFFFFFF;
	p2 =	slt.u32 s8, $0xFFFFF086  }
0x1c: {  	p1 =	slt.u32 s9, $0xF7A;
	s5 =	simm.s32 @!p2 $0x0  }
0x1d: {  	s5 =	simm.s32 @p1 $0x1;
	p0 =	seq.s32 s7, s2  }
0x1e: {  	s7 =	smul.u32 @!p0 $0xF7A, s2;
	p2 =	seq.s32 @!p0 s5, $0x0  }
0x1f: {  	s9 =	smul.u32 $0xF7A, s1;
	s8 =	simm.s32 @!p0 $0x1BF5;
	p2 =	por !p2, p0  }
0x20: {  	[sflag:s8] =	ssyncset.s32 @!p0 $0xFFFFF086;
	s6 =	sadd.s32 @!p0 s3, s7;
	s7 =	simm.s32 @!p0 $0x108  }
0x21: {  	s3 =	sadd.s32 s3, s9;
	s6 =	sadd.s32 @!p0 $0x88, s6;
	s7 =	simm.s32 @p2 $0x1082  }
0x22: {  	[simem:s7], [sflag:s8] =	dma.local @!p0 [hbm:s6], $0xF7A  }
0x23: {  	s9 =	sor.u32 $0xD0000000, s2;
	s6 =	simm.s32 $0x108;
	_ =	swait.ge @!p0 [sflag:s8], $0x0  }
0x24: {  	s3 =	sadd.s32 $0x88, s3;
	s6 =	simm.s32 @!p1 $0x1082;
	[sflag:s4] =	ssyncset.s32 $0xFFFFF086  }
0x25: {  	[simem:s6], [sflag:s4] =	dma.local [hbm:s3], $0xF7A  }
0x26: {  	[smem:$0x3F78] =	sst s1;
	(tag) =	ssettag s2;
	_ =	strace s9  }
0x27: {  	s1 =	sld [smem:$0x3F88]  }
0x28: {  	s2 =	sld [smem:$0x3F89]  }
0x29: {  	s4 =	sld [smem:$0x3F8B]  }
0x2a: {  	p0 =	seq.s32 s5, $0x0;
	s5 =	sld [smem:$0x3F8C]  }
0x2b: {  	s6 =	sld [smem:$0x3F8D]  }
0x2c: {  	s7 =	sld [smem:$0x3F8E]  }
0x2d: {  	s3 =	simm.s32 $0x108;
	s8 =	sld [smem:$0x3F8F]  }
0x2e: {  	s3 =	simm.s32 @!p0 $0x1082;
	s9 =	sld [smem:$0x3F90]  }
0x2f: {  	lr =	sadd.s32 s0, s3;
	s0 =	sld [smem:$0x3F87]  }
0x30: {  	s3 =	sld [smem:$0x3F8A]  }
0x31: {  	[smem:$0x3F93] =	sst s10  }
0x32: {  	s10 =	sld [smem:$0x3F91];
	_ =	sdelay $0x3  }
0x33: {  	p0 =	seq.s32 s10, $0x1;
	s10 =	sld [smem:$0x3F93];
	_ =	sdelay $0x3  }
0x34: {  	[smem:$0x3F93] =	sst s10  }
0x35: {  	s10 =	sld [smem:$0x3F92];
	_ =	sdelay $0x3  }
0x36: {  	p1 =	seq.s32 s10, $0x1;
	s10 =	sld [smem:$0x3F93];
	_ =	sdelay $0x3  }
0x37: {  	[smem:$0x3F93] =	sst s10  }
0x38: {  	s10 =	sld [smem:$0x3F94]  }
0x39: {  	_ = 	snop;
	(pc) =	sbr.ind lr, $3  }
0x3a: {  	_ = 	snop  }
0x3b: {  	_ = 	snop  }
0x3c: {  	p2 =	seq.s32 s10, $0x1;
	s10 =	sld [smem:$0x3F93]  }
0x3d: {  	_ =	shalt  }
0x3e: {  	_ =	shalt  }
0x3f: {  	_ =	shalt  }
0x40: {  	_ =	shalt  }
0x41: {  	_ =	shalt  }
0x42: {  	_ =	shalt  }
0x43: {  	_ =	shalt  }
0x44: {  	_ =	shalt  }
0x45: {  	_ =	shalt  }
0x46: {  	_ =	shalt  }
0x47: {  	_ =	shalt  }
0x48: {  	_ =	shalt  }
0x49: {  	_ =	shalt  }
0x4a: {  	_ =	shalt  }
0x4b: {  	_ =	shalt  }
0x4c: {  	_ =	shalt  }
0x4d: {  	_ =	shalt  }
0x4e: {  	_ =	shalt  }
0x4f: {  	_ =	shalt  }
0x50: {  	_ =	shalt  }
0x51: {  	_ =	shalt  }
0x52: {  	_ =	shalt  }
0x53: {  	_ =	shalt  }
0x54: {  	_ =	shalt  }
0x55: {  	_ =	shalt  }
0x56: {  	_ =	shalt  }
0x57: {  	_ =	shalt  }
0x58: {  	_ =	shalt  }
0x59: {  	_ =	shalt  }
0x5a: {  	_ =	shalt  }
0x5b: {  	_ =	shalt  }
0x5c: {  	_ =	shalt  }
0x5d: {  	_ =	shalt  }
0x5e: {  	_ =	shalt  }
0x5f: {  	_ =	shalt  }
0x60: {  	_ =	shalt  }
0x61: {  	_ =	shalt  }
0x62: {  	_ =	shalt  }
0x63: {  	_ =	shalt  }
0x64: {  	_ =	shalt  }
0x65: {  	_ =	shalt  }
0x66: {  	_ =	shalt  }
0x67: {  	_ =	shalt  }
0x68: {  	_ =	shalt  }
0x69: {  	_ =	shalt  }
0x6a: {  	_ =	shalt  }
0x6b: {  	_ =	shalt  }
0x6c: {  	_ =	shalt  }
0x6d: {  	_ =	shalt  }
0x6e: {  	_ =	shalt  }
0x6f: {  	_ =	shalt  }
0x70: {  	_ =	shalt  }
0x71: {  	_ =	shalt  }
0x72: {  	_ =	shalt  }
0x73: {  	_ =	shalt  }
0x74: {  	_ =	shalt  }
0x75: {  	_ =	shalt  }
0x76: {  	_ =	shalt  }
0x77: {  	_ =	shalt  }
0x78: {  	_ =	shalt  }
0x79: {  	_ =	shalt  }
0x7a: {  	_ =	shalt  }
0x7b: {  	_ =	shalt  }
0x7c: {  	_ =	shalt  }
0x7d: {  	_ =	shalt  }
0x7e: {  	_ =	shalt  }
0x7f: {  	_ =	shalt  }
0x80: {  	_ =	shalt  }
0x81: {  	_ =	shalt  }
0x82: {  	_ =	shalt  }
0x83: {  	_ =	shalt  }
0x84: {  	_ =	shalt  }
0x85: {  	_ =	shalt  }
0x86: {  	_ =	shalt  }
0x87: {  	_ =	shalt  }
.Lfunc_end0:
.L_simem_size_0:
called_computation_lowered:
.L_overlay_start_0:
0x88: {  	s2 =	sld [smem:$0x3FD9]  }
0x89: {  	s3 =	sld [smem:$0x3FFE];
	_ =	sdelay $0x1  }
0x8a: {  	s1 =	srdreg.scid  }
0x8b: {  	s0 =	sand.u32 $0x1, s1  }
0x8c: {  	s14 =	sshll.u32 s0, $0xA;
	s2 =	sadd.s32 s3, s2  }
0x8d: {  	s2 =	sadd.s32 s2, s14  }
0x8e: {  	[smem:$0x3F9F] =	sst s2  }
0x8f: {  	_ = 	snop  }
0x90: {  	s2 =	sld [smem:$0x3FD0];
	_ =	sdelay $0x2  }
0x91: {  	s4 =	simm.s32 $0xA;
	s5 =	simm.s32 $0x10;
	s15 =	sld [smem:$0x3FC8]  }
0x92: {  	[smem:s5], [sflag:s4] =	dma.local [hbm:s2], $0x1  }
0x93: {  	_ =	swait.eq [sflag:s4], $0x1  }
0x94: {  	[sflag:s4] =	ssyncset.done $0x0  }
0x95: {  	[sflag:s4] =	ssyncadd.s32 $0xFFFFFFFF  }
0x96: {  	s16 =	sld [smem:$0x10];
	(tm) =	ssettm $0x1  }
0x97: {  	s17 =	sld [smem:$0x3FFB];
	_ =	sdelay $0x3  }
0x98: {  	_ =	strace s17  }
0x99: {  	s4 =	sld [smem:$0x3FFC];
	_ =	sdelay $0x3  }
0x9a: {  	_ =	strace s4  }
0x9b: {  	s4 =	sld [smem:$0x3FFD];
	_ =	sdelay $0x3  }
0x9c: {  	_ =	strace s4  }
0x9d: {  	_ =	strace $0x8FFFFFFF  }
0x9e: {  	s18 =	sld [smem:$0x3FDB];
	_ =	sdelay $0x1  }
0x9f: {  	s19 =	simm.s32 $_scs_section_size  }
0xa0: {  	s6 =	simm.s32 $_size__tile_overlayer_lowered;
	s7 =	simm.s32 $_tile_overlayer_lowered  }
0xa1: {  	s22 =	simm.s32 $0x1BFF;
	s21 =	sshll.u32 s7, $0x1;
	s4 =	sadd.s32 s19, s18  }
0xa2: {  	s8 =	simm.s32 $0x0;
	s20 =	sshll.u32 s6, $0x1;
	s6 =	sadd.s32 s21, s4  }
0xa3: {  	[timem:s8], [sflag:s22] =	dma.local [hbm:s6], s20  }
0xa4: {  	_ =	swait.ge [sflag:s22], s20  }
0xa5: {  	s5 =	ssub.s32 $0x0, s20;
	[sflag:s22] =	ssyncset.done $0x0  }
0xa6: {  	[sflag:s22] =	ssyncadd.s32 s5;
	_ =	sdelay $0x1  }
0xa7: {  	s23 =	simm.s32 $0x1B8B  }
0xa8: {  	_ =	swait.ge [sflag:s23], $0x1  }
0xa9: {  	[sflag:s23] =	ssyncset.done $0x0  }
0xaa: {  	s25 =	simm.s32 $0x1B8E;
	s24 =	sld [smem:$0x3FFE];
	[sflag:s23] =	ssyncadd.s32 $0xFFFFFFFF  }
0xab: {  	s26 =	simm.s32 $execute0_lowered;
	[smem:$0x3FD2] =	sst s25  }
0xac: {  	s6 =	sshll.u32 s26, $0x1;
	_ =	strace $0x80000046;
	[dreg:$0x1] =	wrdreg $0xFFFFFFFF  }
0xad: {  	s28 =	simm.s32 $_size_execute0_lowered;
	s4 =	sadd.s32 s4, s6;
	[dreg:$0x0] =	wrdreg $0x0  }
0xae: {  	s6 =	sshll.u32 s28, $0x1;
	[dreg:$0x2] =	wrdreg s4  }
0xaf: {  	[dreg:$0x3] =	wrdreg s6  }
0xb0: {  	[dreg:$0x4] =	wrdreg $0xC0  }
0xb1: {  	_ =	task [dreg:s8], $0x5FFFF  }
0xb2: {  	[dreg:$0x1] =	wrdreg $0xFFFFFFFF  }
0xb3: {  	[dreg:$0x0] =	wrdreg $0x60  }
0xb4: {  	[dreg:$0x2] =	wrdreg s16  }
0xb5: {  	[dreg:$0x3] =	wrdreg s15  }
0xb6: {  	[dreg:$0x4] =	wrdreg s24  }
0xb7: {  	[dreg:$0x5] =	wrdreg $0x9  }
0xb8: {  	_ =	task.clear_ibuf [dreg:s8], $0x6FFFF;
	_ =	strace $0x90000046  }
0xb9: {  	s29 =	simm.s32 $0x9;
	_ =	strace $0x80000048  }
0xba: {  	_ =	swait.ge [sflag:s29], $0x1  }
0xbb: {  	[sflag:s29] =	ssyncadd.s32 $0xFFFFFFFF  }
0xbc: {  	_ =	strace $0x90000048  }
0xbd: {  	_ =	sfence  }
0xbe: {  	s30 =	sld [smem:$0x0];
	_ =	sdelay $0x2  }
0xbf: {  	s31 =	sshll.u32 s1, $0xD;
	s1 =	sshrl.u32 s1, $0x2  }
0xc0: {  	s3 =	sand.u32 $0x4000, s31;
	s1 =	sadd.s32 s1, s30  }
0xc1: {  	s0 =	sor.u32 s3, s0;
	s1 =	sshll.u32 s1, $0x11  }
0xc2: {  	s0 =	sor.u32 s1, s0  }
0xc3: {  	s0 =	sadd.s32 $0x8F2B, s0  }
0xc4: {  	[sflag:s0] =	ssyncadd.remote.s32 $0x1  }
0xc5: {  	_ =	sfence.sel $0xFFFF  }
0xc6: {  	[dreg:$0x0] =	wrdreg $0xFFFFFFFF;
	(pc) =	sbr.abs _section_cstart, $3  }
0xc7: {  	[dreg:$0x1] =	wrdreg $0xFFFFFFFF  }
0xc8: {  	_ =	task.clear_ibuf [dreg:s8], $0x2FFFF;
	_ =	strace $0x9FFFFFFF  }
0xc9: {  	(tm) =	ssettm $0x7FFFFFFF  }
tec
execute0_lowered:
.L_overlay_start_1:
0x0: {  	(tag) =	ssettag $0x1  }
0x1: {  	s1 =	rddreg [dreg:$0x0];
	s2 =	srdreg.scid  }
0x2: {  	s10 =	rddreg [dreg:$0x1];
	s0 =	stileid.u32;
	s19 =	sand.u32 $0x1, s2  }
0x3: {  	s17 =	rddreg [dreg:$0x2];
	s4 =	sshll.u32 s0, $0xA;
	s5 =	sshll.u32 s19, $0x9  }
0x4: {  	s3 =	simm.s32 $0x0;
	s2 =	rddreg [dreg:$0x3];
	s18 =	sor.u32 s5, s4  }
0x5: {  	[smem:$0x7FF] =	sst s3;
	s4 =	sshrl.u32 s18, $0x3  }
0x6: {  	_ =	strace $0x80000047;
	s5 =	sadd.s32 s10, s4;
	s4 =	simm.s32 $0x2  }
0x7: {  	[tilespmem:s3], [sflag:$0x2] =	stream.linear.gather [hbm4b:s5+s3], $0x80, $0x38;
	[tilespmem:$0x10200] =	vst v63  }
0x8: {  	s20 =	sor.u32 $0x80, s18;
	_ =	swait.ge [sflag:s4], $0x80  }
0x9: {  	s6 =	sshrl.u32 s20, $0x3;
	[sflag:s4] =	ssyncset.done $0x0  }
0xa: {  	s7 =	simm.s32 $0x80;
	s6 =	sadd.s32 s10, s6;
	[sflag:s4] =	ssyncadd.s32 $0xFFFFFF80  }
0xb: {  	[tilespmem:s7], [sflag:$0x2] =	stream.linear.gather [hbm4b:s6+s3], $0x80, $0x38;
	[tilespmem:$0x10200] =	vst v63  }
0xc: {  	s21 =	sor.u32 $0x100, s18;
	_ =	swait.ge [sflag:s4], $0x80  }
0xd: {  	s8 =	sshrl.u32 s21, $0x3;
	[sflag:s4] =	ssyncset.done $0x0  }
0xe: {  	s9 =	simm.s32 $0x100;
	s8 =	sadd.s32 s10, s8;
	[sflag:s4] =	ssyncadd.s32 $0xFFFFFF80  }
0xf: {  	[tilespmem:s9], [sflag:$0x2] =	stream.linear.gather [hbm4b:s8+s3], $0x80, $0x38;
	[tilespmem:$0x10200] =	vst v63  }
0x10: {  	s22 =	sor.u32 $0x180, s18;
	_ =	swait.ge [sflag:s4], $0x80  }
0x11: {  	s11 =	sshrl.u32 s22, $0x3;
	[sflag:s4] =	ssyncset.done $0x0  }
0x12: {  	s10 =	sadd.s32 s10, s11;
	s11 =	simm.s32 $0x180;
	[sflag:s4] =	ssyncadd.s32 $0xFFFFFF80  }
0x13: {  	[tilespmem:s11], [sflag:$0x2] =	stream.linear.gather [hbm4b:s10+s3], $0x80, $0x38;
	[tilespmem:$0x10200] =	vst v63  }
0x14: {  	_ =	swait.ge [sflag:s4], $0x80  }
0x15: {  	[sflag:s4] =	ssyncset.done $0x0  }
0x16: {  	s12 =	simm.s32 $0x200;
	[sflag:s4] =	ssyncadd.s32 $0xFFFFFF80  }
0x17: {  	[tilespmem:s12], [sflag:$0x1] =	stream.indirect.gather [hbm4b:s1+s7], $0x80, s3, s7, $0xb8;
	[tilespmem:$0x10200] =	vst v63  }
0x18: {  	s13 =	simm.s32 $0x4200  }
0x19: {  	[tilespmem:s13], [sflag:$0x1] =	stream.indirect.gather [hbm4b:s1+s7], $0x80, s7, s7, $0xb8;
	[tilespmem:$0x10200] =	vst v63  }
0x1a: {  	s14 =	simm.s32 $0x8200  }
0x1b: {  	[tilespmem:s14], [sflag:$0x1] =	stream.indirect.gather [hbm4b:s1+s7], $0x80, s9, s7, $0xb8;
	[tilespmem:$0x10200] =	vst v63  }
0x1c: {  	s15 =	simm.s32 $0xC200;
	s16 =	simm.s32 $0x1  }
0x1d: {  	[tilespmem:s15], [sflag:$0x1] =	stream.indirect.gather [hbm4b:s1+s7], $0x80, s11, s7, $0xb8;
	[tilespmem:$0x10200] =	vst v63  }
0x1e: {  	_ =	swait.ge [sflag:s16], $0x4000  }
0x1f: {  	[sflag:s16] =	ssyncset.done $0x0  }
0x20: {  	[sflag:s16] =	ssyncadd.s32 $0xFFFFC000  }
0x21: {  	_ =	swait.ge [sflag:s16], $0x4000  }
0x22: {  	[sflag:s16] =	ssyncset.done $0x0  }
0x23: {  	[sflag:s16] =	ssyncadd.s32 $0xFFFFC000  }
0x24: {  	_ =	swait.ge [sflag:s16], $0x4000  }
0x25: {  	[sflag:s16] =	ssyncset.done $0x0  }
0x26: {  	[sflag:s16] =	ssyncadd.s32 $0xFFFFC000  }
0x27: {  	_ =	swait.ge [sflag:s16], $0x4000  }
0x28: {  	s23 =	sadd.s32 $0x5200, s17;
	s25 =	sshll.u32 s18, $0x4;
	[sflag:s16] =	ssyncset.done $0x0  }
0x29: {  	s17 =	sadd.s32 s23, s25;
	[sflag:s16] =	ssyncadd.s32 $0xFFFFC000  }
0x2a: {  	[hbm4b:s17+s3] =	stream.linear.scatter [tilespmem:s12], [sflag:$0x2], $0x4000, $0x38;
	[tilespmem:$0x10200] =	vst v63  }
0x2b: {  	_ =	swait.ge [sflag:s4], $0x4000  }
0x2c: {  	s26 =	sshll.u32 s20, $0x4;
	[sflag:s4] =	ssyncset.done $0x0  }
0x2d: {  	s29 =	ssub.s32 $0x2, s19;
	s18 =	sadd.s32 s23, s26;
	[sflag:s4] =	ssyncadd.s32 $0xFFFFC000  }
0x2e: {  	[hbm4b:s18+s3] =	stream.linear.scatter [tilespmem:s13], [sflag:$0x2], $0x4000, $0x38;
	[tilespmem:$0x10200] =	vst v63  }
0x2f: {  	s30 =	sshrl.u32 s29, $0x1;
	_ =	swait.ge [sflag:s4], $0x4000  }
0x30: {  	s28 =	sshll.u32 s21, $0x4;
	s21 =	ssub.s32 s29, s30;
	[sflag:s4] =	ssyncset.done $0x0  }
0x31: {  	s19 =	sadd.s32 s23, s28;
	s21 =	smax.u32 s21, $0x1;
	[sflag:s4] =	ssyncadd.s32 $0xFFFFC000  }
0x32: {  	[hbm4b:s19+s3] =	stream.linear.scatter [tilespmem:s14], [sflag:$0x2], $0x4000, $0x38;
	[tilespmem:$0x10200] =	vst v63  }
0x33: {  	p0 =	sne.s32 s21, $0x1;
	_ =	swait.ge [sflag:s4], $0x4000  }
.Ltmp0:
0x34: {  	s31 =	sshll.u32 s22, $0x4;
	[sflag:s4] =	ssyncset.done $0x0;
	(pc) =	sbr.rel @!p0 .LBB2_2-.Ltmp0, $4  }
0x35: {  	s20 =	sadd.s32 s23, s31;
	[sflag:s4] =	ssyncadd.s32 $0xFFFFC000  }
0x36: {  	[hbm4b:s20+s3] =	stream.linear.scatter [tilespmem:s15], [sflag:$0x2], $0x4000, $0x38;
	[tilespmem:$0x10200] =	vst v63  }
0x37: {  	_ =	swait.ge [sflag:s4], $0x4000  }
0x38: {  	s21 =	sadd.s32 $0xFFFFFFFF, s21;
	[sflag:s4] =	ssyncset.done $0x0  }
.LBB2_1:
0x39: {  	p0 =	sne.s32 s21, $0x1;
	s21 =	sadd.s32 $0xFFFFFFFF, s21;
	[sflag:s4] =	ssyncadd.s32 $0xFFFFC000  }
0x3a: {  	[tilespmem:s3], [sflag:$0x2] =	stream.linear.gather [hbm4b:s5+s3], $0x80, $0x38;
	[tilespmem:$0x10200] =	vst v63  }
0x3b: {  	_ =	swait.ge [sflag:s4], $0x80  }
0x3c: {  	[sflag:s4] =	ssyncset.done $0x0  }
0x3d: {  	[sflag:s4] =	ssyncadd.s32 $0xFFFFFF80  }
0x3e: {  	[tilespmem:s7], [sflag:$0x2] =	stream.linear.gather [hbm4b:s6+s3], $0x80, $0x38;
	[tilespmem:$0x10200] =	vst v63  }
0x3f: {  	_ =	swait.ge [sflag:s4], $0x80  }
0x40: {  	[sflag:s4] =	ssyncset.done $0x0  }
0x41: {  	[sflag:s4] =	ssyncadd.s32 $0xFFFFFF80  }
0x42: {  	[tilespmem:s9], [sflag:$0x2] =	stream.linear.gather [hbm4b:s8+s3], $0x80, $0x38;
	[tilespmem:$0x10200] =	vst v63  }
0x43: {  	_ =	swait.ge [sflag:s4], $0x80  }
0x44: {  	[sflag:s4] =	ssyncset.done $0x0  }
0x45: {  	[sflag:s4] =	ssyncadd.s32 $0xFFFFFF80  }
0x46: {  	[tilespmem:s11], [sflag:$0x2] =	stream.linear.gather [hbm4b:s10+s3], $0x80, $0x38;
	[tilespmem:$0x10200] =	vst v63  }
0x47: {  	_ =	swait.ge [sflag:s4], $0x80  }
0x48: {  	[sflag:s4] =	ssyncset.done $0x0  }
0x49: {  	[sflag:s4] =	ssyncadd.s32 $0xFFFFFF80  }
0x4a: {  	[tilespmem:s12], [sflag:$0x1] =	stream.indirect.gather [hbm4b:s1+s7], $0x80, s3, s7, $0xb8;
	[tilespmem:$0x10200] =	vst v63  }
0x4b: {  	_ = 	snop  }
0x4c: {  	[tilespmem:s13], [sflag:$0x1] =	stream.indirect.gather [hbm4b:s1+s7], $0x80, s7, s7, $0xb8;
	[tilespmem:$0x10200] =	vst v63  }
0x4d: {  	_ = 	snop  }
0x4e: {  	[tilespmem:s14], [sflag:$0x1] =	stream.indirect.gather [hbm4b:s1+s7], $0x80, s9, s7, $0xb8;
	[tilespmem:$0x10200] =	vst v63  }
0x4f: {  	_ = 	snop  }
0x50: {  	[tilespmem:s15], [sflag:$0x1] =	stream.indirect.gather [hbm4b:s1+s7], $0x80, s11, s7, $0xb8;
	[tilespmem:$0x10200] =	vst v63  }
0x51: {  	_ =	swait.ge [sflag:s16], $0x4000  }
0x52: {  	[sflag:s16] =	ssyncset.done $0x0  }
0x53: {  	[sflag:s16] =	ssyncadd.s32 $0xFFFFC000  }
0x54: {  	_ =	swait.ge [sflag:s16], $0x4000  }
0x55: {  	[sflag:s16] =	ssyncset.done $0x0  }
0x56: {  	[sflag:s16] =	ssyncadd.s32 $0xFFFFC000  }
0x57: {  	_ =	swait.ge [sflag:s16], $0x4000  }
0x58: {  	[sflag:s16] =	ssyncset.done $0x0  }
0x59: {  	[sflag:s16] =	ssyncadd.s32 $0xFFFFC000  }
0x5a: {  	_ =	swait.ge [sflag:s16], $0x4000  }
0x5b: {  	[sflag:s16] =	ssyncset.done $0x0  }
0x5c: {  	[sflag:s16] =	ssyncadd.s32 $0xFFFFC000  }
0x5d: {  	[hbm4b:s17+s3] =	stream.linear.scatter [tilespmem:s12], [sflag:$0x2], $0x4000, $0x38;
	[tilespmem:$0x10200] =	vst v63  }
0x5e: {  	_ =	swait.ge [sflag:s4], $0x4000  }
0x5f: {  	[sflag:s4] =	ssyncset.done $0x0  }
0x60: {  	[sflag:s4] =	ssyncadd.s32 $0xFFFFC000  }
0x61: {  	[hbm4b:s18+s3] =	stream.linear.scatter [tilespmem:s13], [sflag:$0x2], $0x4000, $0x38;
	[tilespmem:$0x10200] =	vst v63  }
0x62: {  	_ =	swait.ge [sflag:s4], $0x4000  }
0x63: {  	[sflag:s4] =	ssyncset.done $0x0  }
0x64: {  	[sflag:s4] =	ssyncadd.s32 $0xFFFFC000  }
0x65: {  	[hbm4b:s19+s3] =	stream.linear.scatter [tilespmem:s14], [sflag:$0x2], $0x4000, $0x38;
	[tilespmem:$0x10200] =	vst v63  }
0x66: {  	_ =	swait.ge [sflag:s4], $0x4000  }
.Ltmp1:
0x67: {  	[sflag:s4] =	ssyncset.done $0x0;
	(pc) =	sbr.rel @p0 .LBB2_1-.Ltmp1, $4  }
0x68: {  	[sflag:s4] =	ssyncadd.s32 $0xFFFFC000  }
0x69: {  	[hbm4b:s20+s3] =	stream.linear.scatter [tilespmem:s15], [sflag:$0x2], $0x4000, $0x38;
	[tilespmem:$0x10200] =	vst v63  }
0x6a: {  	_ =	swait.ge [sflag:s4], $0x4000  }
0x6b: {  	[sflag:s4] =	ssyncset.done $0x0  }
.LBB2_2:
0x6c: {  	[sflag:s4] =	ssyncadd.s32 $0xFFFFC000  }
0x6d: {  	_ =	sfence.sel $0x180000  }
0x6e: {  	[bflag:$0x0] =	sbarrier.arrive $0xFFFF  }
0x6f: {  	p0 =	sne.s32 s0, $0x0;
	_ =	strace $0x90000047  }
0x70: {  	s0 =	sadd.s32 @!p0 $0x100000, s2;
	[bflag:$0x2] =	sbarrier.arrive $0xFFFF  }
0x71: {  	[sflag:s0] =	ssyncadd.tile.s32 @!p0 $0x1;
	_ =	shalt  }
.Lfunc_end2:
_tile_overlayer_lowered:
.L_overlay_start_2:
0x72: {  	(tag) =	ssettag $0x2  }
0x73: {  	s0 =	rddreg [dreg:$0x0];
	s2 =	stileid.u32  }
0x74: {  	s1 =	rddreg [dreg:$0x1];
	p0 =	sne.s32 s2, $0x0  }
0x75: {  	s3 =	rddreg [dreg:$0x2];
	[bflag:$0x3] =	sbarrier.arrive $0xFFFF;
	s2 =	simm.s32 @!p0 $0x1C02  }
0x76: {  	[timem:s3], [sflag:s2] =	dma.local @!p0 [hbm:s0], s1  }
0x77: {  	s0 =	simm.s32 @!p0 $0x2  }
0x78: {  	_ =	swait.ge @!p0 [sflag:s0], s1  }
0x79: {  	s1 =	ssub.s32 @!p0 $0x0, s1;
	[sflag:s0] =	ssyncset.done @!p0 $0x0  }
0x7a: {  	[sflag:s0] =	ssyncadd.s32 @!p0 s1  }
0x7b: {  	[bflag:$0x3] =	sbarrier.arrive $0xFFFF  }
0x7c: {  	_ =	shalt  }

</sc_bundles>
